<compile_context>
chip_gen: v7x
topology: tpu7x:2x2x1
jax: 0.10.2.dev20260603
libtpu: 0.0.44.dev20260713+nightly
codegen_flags: <defaults>
</compile_context>

<pallas_src>
import functools
import math

import jax
import jax.numpy as jnp
from jax import lax
from jax.experimental import pallas as pl
from jax.experimental.pallas import tpu as pltpu
from jax.experimental.pallas import tpu_sc as plsc

_LANES = 16


@functools.partial(jax.jit, static_argnums=(3, 4))
def _embed_lookup_t(inputs, tok_t, pos_t, n_batch, scale):
    d, v = tok_t.shape
    b, s = inputs.shape
    n = b * s
    info = plsc.get_sparse_core_info()
    n_workers = info.num_cores * info.num_subcores
    dims_per_w = d // n_workers
    mesh = plsc.VectorSubcoreMesh(core_axis_name="c", subcore_axis_name="s")

    @functools.partial(
        pl.kernel,
        mesh=mesh,
        compiler_params=pltpu.CompilerParams(needs_layout_passes=False),
        out_type=jax.ShapeDtypeStruct((b, d, s), jnp.float32),
        scratch_types=[
            pltpu.VMEM((n,), jnp.int32),
            pltpu.VMEM((v,), jnp.float32),
            pltpu.VMEM((n,), jnp.float32),
            pltpu.VMEM((n,), jnp.float32),
            pltpu.SemaphoreType.DMA,
            pltpu.SemaphoreType.DMA,
            pltpu.SemaphoreType.DMA,
            pltpu.SemaphoreType.DMA,
        ],
    )
    def run(idx_hbm, tok_hbm, pos_hbm, out_hbm,
            idx_v, row_v, out_0, out_1, isem, rsem, psem, wsem):
        wid = lax.axis_index("s") * info.num_cores + lax.axis_index("c")
        dim0 = wid * dims_per_w
        outs = [out_0, out_1]

        idx_copies = [
            pltpu.async_copy(idx_hbm.at[bb], idx_v.at[pl.ds(bb * s, s)], isem)
            for bb in range(b)
        ]
        prefills = [
            pltpu.async_copy(pos_hbm.at[dim0, pl.ds(0, s)],
                             outs[0].at[pl.ds(bb * s, s)], psem)
            for bb in range(b)
        ]
        row_copy = pltpu.async_copy(tok_hbm.at[dim0], row_v, rsem)
        out_copies = []

        for c in idx_copies:
            c.wait()
        for j in range(dims_per_w):
            dim = dim0 + j
            out_v = outs[j % 2]
            for c in prefills:
                c.wait()
            row_copy.wait()

            n_chunks = n // _LANES
            n_streams = 8
            span = n_chunks // n_streams

            def body(k, _):
                gs = []
                for t in range(n_streams):
                    sl = pl.ds((k + t * span) * _LANES, _LANES)
                    gs.append((sl, plsc.load_gather(row_v, [idx_v[sl]])))
                for sl, g in gs:
                    plsc.addupdate(out_v.at[sl], g * scale)
                return ()

            lax.fori_loop(0, span, body, (), unroll=2)

            if j + 1 < dims_per_w:
                row_copy = pltpu.async_copy(tok_hbm.at[dim + 1], row_v, rsem)
                prefills = [
                    pltpu.async_copy(pos_hbm.at[dim + 1, pl.ds(0, s)],
                                     outs[(j + 1) % 2].at[pl.ds(bb * s, s)],
                                     psem)
                    for bb in range(b)
                ]
            for bb in range(b):
                out_copies.append(pltpu.async_copy(
                    out_v.at[pl.ds(bb * s, s)],
                    out_hbm.at[bb, dim, pl.ds(0, s)], wsem))
        for c in out_copies:
            c.wait()

    return run(inputs, tok_t, pos_t)


def kernel(inputs, token_table, pos_table):
    b, s = inputs.shape
    d = token_table.shape[1]
    scale = float(math.sqrt(d))
    out_t = _embed_lookup_t(inputs.astype(jnp.int32), token_table.T,
                            pos_table.T, b, scale)
    return out_t.transpose(0, 2, 1)

# --- scband reference (transcript-rebuilt; emitter-appended) ---
"""Pipeline reference for scband-positional-embedding-55216099558238 (READ-ONLY COPY).

The authoritative reference and input builder live on the scoring server;
editing this copy changes nothing except your own understanding.
"""

import jax, jax.numpy as jnp
import numpy as np

VOCAB = 100000
EMBED_DIM = 64
BATCH = 4
SEQ_LEN = 2048


def setup_inputs(seed: int = 0) -> dict:
    key = jax.random.key(seed)
    k1, k2, k3 = jax.random.split(key, 3)
    inputs = jax.random.randint(k1, (BATCH, SEQ_LEN), 0, VOCAB, dtype=jnp.int64 if jax.config.jax_enable_x64 else jnp.int32)
    token_table = jax.random.normal(k2, (VOCAB, EMBED_DIM), dtype=jnp.float32) * 0.02
    pos_table = jax.random.normal(k3, (VOCAB, EMBED_DIM), dtype=jnp.float32) * 0.02
    return {"inputs": inputs, "token_table": token_table, "pos_table": pos_table}


def reference(inputs, token_table, pos_table):
    # PositionalEmbedding.call:
    #   length = shape(inputs)[-1]; pos = range(length)
    #   emb_tokens = token_emb(inputs) * sqrt(embed_dim)
    #   emb_pos = pos_emb(pos)
    #   return emb_tokens + emb_pos
    length = inputs.shape[-1]
    pos = jnp.arange(length)
    scale = jnp.sqrt(jnp.asarray(EMBED_DIM, dtype=jnp.float32))
    emb_tokens = jnp.take(token_table, inputs, axis=0) * scale  # [B, S, D]
    emb_pos = jnp.take(pos_table, pos, axis=0)  # [S, D]
    return emb_tokens + emb_pos[None, :, :]

if __name__ == "__main__":
    import jax
    _d = setup_inputs()
    print(jax.jit(kernel)(*tuple(_d.values())))

</pallas_src>

<mosaic_0001>
#map = affine_map<(d0, d1) -> (0, 0)>
#map1 = affine_map<(d0, d1) -> (0, 0, 0)>
module attributes {stable_mosaic.version = 14 : i64} {
  func.func @run(%arg0: i32, %arg1: i32, %arg2: memref<4x2048xi32, #tpu.memory_space<hbm>>, %arg3: memref<64x100000xf32, #tpu.memory_space<hbm>>, %arg4: memref<64x100000xf32, #tpu.memory_space<hbm>>, %arg5: memref<4x64x2048xf32, #tpu.memory_space<hbm>>, %arg6: memref<8192xi32, #tpu.memory_space<vmem>>, %arg7: memref<100000xf32, #tpu.memory_space<vmem>>, %arg8: memref<8192xf32, #tpu.memory_space<vmem>>, %arg9: memref<8192xf32, #tpu.memory_space<vmem>>, %arg10: memref<!tpu.dma_semaphore, #tpu.memory_space<semaphore_mem>>, %arg11: memref<!tpu.dma_semaphore, #tpu.memory_space<semaphore_mem>>, %arg12: memref<!tpu.dma_semaphore, #tpu.memory_space<semaphore_mem>>, %arg13: memref<!tpu.dma_semaphore, #tpu.memory_space<semaphore_mem>>) attributes {dimension_semantics = [#tpu.dimension_semantics<core_parallel>, #tpu.dimension_semantics<subcore_parallel>], iteration_bounds = array<i64: 2, 16>, scalar_prefetch = 0 : i64, scratch_operands = 8 : i64, tpu.core_type = #tpu.core_type<sc_vector_subcore>, window_params = [{transform_indices = #map}, {transform_indices = #map}, {transform_indices = #map}, {transform_indices = #map1}]} {
    %mul3A = arith.constant 2 : i32
    %mul3A_0 = arith.muli %arg1, %mul3A : i32
    %add3A = arith.addi %mul3A_0, %arg0 : i32
    %mul3A_1 = arith.constant 2 : i32
    %mul3A_2 = arith.muli %add3A, %mul3A_1 : i32
    %dma_start3A = arith.constant 0 : i32
    %dma_start3A_3 = arith.constant 0 : i32
    %dma_start3A_4 = tpu.memref_slice %arg6[%dma_start3A_3] : memref<8192xi32, #tpu.memory_space<vmem>> -> memref<2048xi32, #tpu.memory_space<vmem>>
    %dma_start3A_5 = arith.constant 0 : i32
    %dma_start3A_6 = tpu.memref_slice %arg2[%dma_start3A, %dma_start3A_5] : memref<4x2048xi32, #tpu.memory_space<hbm>> -> memref<1x2048xi32, #tpu.memory_space<hbm>>
    %dma_start3A_7 = tpu.memref_squeeze %dma_start3A_6 : memref<1x2048xi32, #tpu.memory_space<hbm>> -> memref<2048xi32, #tpu.memory_space<hbm>>
    %dma_start3A_8 = arith.constant 0 : i32
    %dma_start3A_9 = tpu.memref_slice %arg6[%dma_start3A_8] : memref<8192xi32, #tpu.memory_space<vmem>> -> memref<2048xi32, #tpu.memory_space<vmem>>
    %dma_start3A_10 = arith.constant 0 : i32
    %dma_start3A_11 = tpu.memref_slice %arg2[%dma_start3A, %dma_start3A_10] : memref<4x2048xi32, #tpu.memory_space<hbm>> -> memref<1x2048xi32, #tpu.memory_space<hbm>>
    %dma_start3A_12 = tpu.memref_squeeze %dma_start3A_11 : memref<1x2048xi32, #tpu.memory_space<hbm>> -> memref<2048xi32, #tpu.memory_space<hbm>>
    tpu.enqueue_dma source(%dma_start3A_12 : memref<2048xi32, #tpu.memory_space<hbm>>) target(%dma_start3A_9 : memref<2048xi32, #tpu.memory_space<vmem>>) target_semaphore(%arg10 : memref<!tpu.dma_semaphore, #tpu.memory_space<semaphore_mem>>)
    %dma_start3A_13 = arith.constant 1 : i32
    %dma_start3A_14 = arith.constant 2048 : i32
    %dma_start3A_15 = tpu.memref_slice %arg6[%dma_start3A_14] : memref<8192xi32, #tpu.memory_space<vmem>> -> memref<2048xi32, #tpu.memory_space<vmem>>
    %dma_start3A_16 = arith.constant 0 : i32
    %dma_start3A_17 = tpu.memref_slice %arg2[%dma_start3A_13, %dma_start3A_16] : memref<4x2048xi32, #tpu.memory_space<hbm>> -> memref<1x2048xi32, #tpu.memory_space<hbm>>
    %dma_start3A_18 = tpu.memref_squeeze %dma_start3A_17 : memref<1x2048xi32, #tpu.memory_space<hbm>> -> memref<2048xi32, #tpu.memory_space<hbm>>
    %dma_start3A_19 = arith.constant 2048 : i32
    %dma_start3A_20 = tpu.memref_slice %arg6[%dma_start3A_19] : memref<8192xi32, #tpu.memory_space<vmem>> -> memref<2048xi32, #tpu.memory_space<vmem>>
    %dma_start3A_21 = arith.constant 0 : i32
    %dma_start3A_22 = tpu.memref_slice %arg2[%dma_start3A_13, %dma_start3A_21] : memref<4x2048xi32, #tpu.memory_space<hbm>> -> memref<1x2048xi32, #tpu.memory_space<hbm>>
    %dma_start3A_23 = tpu.memref_squeeze %dma_start3A_22 : memref<1x2048xi32, #tpu.memory_space<hbm>> -> memref<2048xi32, #tpu.memory_space<hbm>>
    tpu.enqueue_dma source(%dma_start3A_23 : memref<2048xi32, #tpu.memory_space<hbm>>) target(%dma_start3A_20 : memref<2048xi32, #tpu.memory_space<vmem>>) target_semaphore(%arg10 : memref<!tpu.dma_semaphore, #tpu.memory_space<semaphore_mem>>)
    %dma_start3A_24 = arith.constant 2 : i32
    %dma_start3A_25 = arith.constant 4096 : i32
    %dma_start3A_26 = tpu.memref_slice %arg6[%dma_start3A_25] : memref<8192xi32, #tpu.memory_space<vmem>> -> memref<2048xi32, #tpu.memory_space<vmem>>
    %dma_start3A_27 = arith.constant 0 : i32
    %dma_start3A_28 = tpu.memref_slice %arg2[%dma_start3A_24, %dma_start3A_27] : memref<4x2048xi32, #tpu.memory_space<hbm>> -> memref<1x2048xi32, #tpu.memory_space<hbm>>
    %dma_start3A_29 = tpu.memref_squeeze %dma_start3A_28 : memref<1x2048xi32, #tpu.memory_space<hbm>> -> memref<2048xi32, #tpu.memory_space<hbm>>
    %dma_start3A_30 = arith.constant 4096 : i32
    %dma_start3A_31 = tpu.memref_slice %arg6[%dma_start3A_30] : memref<8192xi32, #tpu.memory_space<vmem>> -> memref<2048xi32, #tpu.memory_space<vmem>>
    %dma_start3A_32 = arith.constant 0 : i32
    %dma_start3A_33 = tpu.memref_slice %arg2[%dma_start3A_24, %dma_start3A_32] : memref<4x2048xi32, #tpu.memory_space<hbm>> -> memref<1x2048xi32, #tpu.memory_space<hbm>>
    %dma_start3A_34 = tpu.memref_squeeze %dma_start3A_33 : memref<1x2048xi32, #tpu.memory_space<hbm>> -> memref<2048xi32, #tpu.memory_space<hbm>>
    tpu.enqueue_dma source(%dma_start3A_34 : memref<2048xi32, #tpu.memory_space<hbm>>) target(%dma_start3A_31 : memref<2048xi32, #tpu.memory_space<vmem>>) target_semaphore(%arg10 : memref<!tpu.dma_semaphore, #tpu.memory_space<semaphore_mem>>)
    %dma_start3A_35 = arith.constant 3 : i32
    %dma_start3A_36 = arith.constant 6144 : i32
    %dma_start3A_37 = tpu.memref_slice %arg6[%dma_start3A_36] : memref<8192xi32, #tpu.memory_space<vmem>> -> memref<2048xi32, #tpu.memory_space<vmem>>
    %dma_start3A_38 = arith.constant 0 : i32
    %dma_start3A_39 = tpu.memref_slice %arg2[%dma_start3A_35, %dma_start3A_38] : memref<4x2048xi32, #tpu.memory_space<hbm>> -> memref<1x2048xi32, #tpu.memory_space<hbm>>
    %dma_start3A_40 = tpu.memref_squeeze %dma_start3A_39 : memref<1x2048xi32, #tpu.memory_space<hbm>> -> memref<2048xi32, #tpu.memory_space<hbm>>
    %dma_start3A_41 = arith.constant 6144 : i32
    %dma_start3A_42 = tpu.memref_slice %arg6[%dma_start3A_41] : memref<8192xi32, #tpu.memory_space<vmem>> -> memref<2048xi32, #tpu.memory_space<vmem>>
    %dma_start3A_43 = arith.constant 0 : i32
    %dma_start3A_44 = tpu.memref_slice %arg2[%dma_start3A_35, %dma_start3A_43] : memref<4x2048xi32, #tpu.memory_space<hbm>> -> memref<1x2048xi32, #tpu.memory_space<hbm>>
    %dma_start3A_45 = tpu.memref_squeeze %dma_start3A_44 : memref<1x2048xi32, #tpu.memory_space<hbm>> -> memref<2048xi32, #tpu.memory_space<hbm>>
    tpu.enqueue_dma source(%dma_start3A_45 : memref<2048xi32, #tpu.memory_space<hbm>>) target(%dma_start3A_42 : memref<2048xi32, #tpu.memory_space<vmem>>) target_semaphore(%arg10 : memref<!tpu.dma_semaphore, #tpu.memory_space<semaphore_mem>>)
    %dma_start3A_46 = arith.constant 0 : i32
    %dma_start3A_47 = tpu.memref_slice %arg8[%dma_start3A_46] : memref<8192xf32, #tpu.memory_space<vmem>> -> memref<2048xf32, #tpu.memory_space<vmem>>
    %dma_start3A_48 = arith.constant 0 : i32
    %dma_start3A_49 = tpu.memref_slice %arg4[%mul3A_2, %dma_start3A_48] : memref<64x100000xf32, #tpu.memory_space<hbm>> -> memref<1x2048xf32, #tpu.memory_space<hbm>>
    %dma_start3A_50 = tpu.memref_squeeze %dma_start3A_49 : memref<1x2048xf32, #tpu.memory_space<hbm>> -> memref<2048xf32, #tpu.memory_space<hbm>>
    %dma_start3A_51 = arith.constant 0 : i32
    %dma_start3A_52 = tpu.memref_slice %arg8[%dma_start3A_51] : memref<8192xf32, #tpu.memory_space<vmem>> -> memref<2048xf32, #tpu.memory_space<vmem>>
    %dma_start3A_53 = arith.constant 0 : i32
    %dma_start3A_54 = tpu.memref_slice %arg4[%mul3A_2, %dma_start3A_53] : memref<64x100000xf32, #tpu.memory_space<hbm>> -> memref<1x2048xf32, #tpu.memory_space<hbm>>
    %dma_start3A_55 = tpu.memref_squeeze %dma_start3A_54 : memref<1x2048xf32, #tpu.memory_space<hbm>> -> memref<2048xf32, #tpu.memory_space<hbm>>
    tpu.enqueue_dma source(%dma_start3A_55 : memref<2048xf32, #tpu.memory_space<hbm>>) target(%dma_start3A_52 : memref<2048xf32, #tpu.memory_space<vmem>>) target_semaphore(%arg12 : memref<!tpu.dma_semaphore, #tpu.memory_space<semaphore_mem>>)
    %dma_start3A_56 = arith.constant 2048 : i32
    %dma_start3A_57 = tpu.memref_slice %arg8[%dma_start3A_56] : memref<8192xf32, #tpu.memory_space<vmem>> -> memref<2048xf32, #tpu.memory_space<vmem>>
    %dma_start3A_58 = arith.constant 0 : i32
    %dma_start3A_59 = tpu.memref_slice %arg4[%mul3A_2, %dma_start3A_58] : memref<64x100000xf32, #tpu.memory_space<hbm>> -> memref<1x2048xf32, #tpu.memory_space<hbm>>
    %dma_start3A_60 = tpu.memref_squeeze %dma_start3A_59 : memref<1x2048xf32, #tpu.memory_space<hbm>> -> memref<2048xf32, #tpu.memory_space<hbm>>
    %dma_start3A_61 = arith.constant 2048 : i32
    %dma_start3A_62 = tpu.memref_slice %arg8[%dma_start3A_61] : memref<8192xf32, #tpu.memory_space<vmem>> -> memref<2048xf32, #tpu.memory_space<vmem>>
    %dma_start3A_63 = arith.constant 0 : i32
    %dma_start3A_64 = tpu.memref_slice %arg4[%mul3A_2, %dma_start3A_63] : memref<64x100000xf32, #tpu.memory_space<hbm>> -> memref<1x2048xf32, #tpu.memory_space<hbm>>
    %dma_start3A_65 = tpu.memref_squeeze %dma_start3A_64 : memref<1x2048xf32, #tpu.memory_space<hbm>> -> memref<2048xf32, #tpu.memory_space<hbm>>
    tpu.enqueue_dma source(%dma_start3A_65 : memref<2048xf32, #tpu.memory_space<hbm>>) target(%dma_start3A_62 : memref<2048xf32, #tpu.memory_space<vmem>>) target_semaphore(%arg12 : memref<!tpu.dma_semaphore, #tpu.memory_space<semaphore_mem>>)
    %dma_start3A_66 = arith.constant 4096 : i32
    %dma_start3A_67 = tpu.memref_slice %arg8[%dma_start3A_66] : memref<8192xf32, #tpu.memory_space<vmem>> -> memref<2048xf32, #tpu.memory_space<vmem>>
    %dma_start3A_68 = arith.constant 0 : i32
    %dma_start3A_69 = tpu.memref_slice %arg4[%mul3A_2, %dma_start3A_68] : memref<64x100000xf32, #tpu.memory_space<hbm>> -> memref<1x2048xf32, #tpu.memory_space<hbm>>
    %dma_start3A_70 = tpu.memref_squeeze %dma_start3A_69 : memref<1x2048xf32, #tpu.memory_space<hbm>> -> memref<2048xf32, #tpu.memory_space<hbm>>
    %dma_start3A_71 = arith.constant 4096 : i32
    %dma_start3A_72 = tpu.memref_slice %arg8[%dma_start3A_71] : memref<8192xf32, #tpu.memory_space<vmem>> -> memref<2048xf32, #tpu.memory_space<vmem>>
    %dma_start3A_73 = arith.constant 0 : i32
    %dma_start3A_74 = tpu.memref_slice %arg4[%mul3A_2, %dma_start3A_73] : memref<64x100000xf32, #tpu.memory_space<hbm>> -> memref<1x2048xf32, #tpu.memory_space<hbm>>
    %dma_start3A_75 = tpu.memref_squeeze %dma_start3A_74 : memref<1x2048xf32, #tpu.memory_space<hbm>> -> memref<2048xf32, #tpu.memory_space<hbm>>
    tpu.enqueue_dma source(%dma_start3A_75 : memref<2048xf32, #tpu.memory_space<hbm>>) target(%dma_start3A_72 : memref<2048xf32, #tpu.memory_space<vmem>>) target_semaphore(%arg12 : memref<!tpu.dma_semaphore, #tpu.memory_space<semaphore_mem>>)
    %dma_start3A_76 = arith.constant 6144 : i32
    %dma_start3A_77 = tpu.memref_slice %arg8[%dma_start3A_76] : memref<8192xf32, #tpu.memory_space<vmem>> -> memref<2048xf32, #tpu.memory_space<vmem>>
    %dma_start3A_78 = arith.constant 0 : i32
    %dma_start3A_79 = tpu.memref_slice %arg4[%mul3A_2, %dma_start3A_78] : memref<64x100000xf32, #tpu.memory_space<hbm>> -> memref<1x2048xf32, #tpu.memory_space<hbm>>
    %dma_start3A_80 = tpu.memref_squeeze %dma_start3A_79 : memref<1x2048xf32, #tpu.memory_space<hbm>> -> memref<2048xf32, #tpu.memory_space<hbm>>
    %dma_start3A_81 = arith.constant 6144 : i32
    %dma_start3A_82 = tpu.memref_slice %arg8[%dma_start3A_81] : memref<8192xf32, #tpu.memory_space<vmem>> -> memref<2048xf32, #tpu.memory_space<vmem>>
    %dma_start3A_83 = arith.constant 0 : i32
    %dma_start3A_84 = tpu.memref_slice %arg4[%mul3A_2, %dma_start3A_83] : memref<64x100000xf32, #tpu.memory_space<hbm>> -> memref<1x2048xf32, #tpu.memory_space<hbm>>
    %dma_start3A_85 = tpu.memref_squeeze %dma_start3A_84 : memref<1x2048xf32, #tpu.memory_space<hbm>> -> memref<2048xf32, #tpu.memory_space<hbm>>
    tpu.enqueue_dma source(%dma_start3A_85 : memref<2048xf32, #tpu.memory_space<hbm>>) target(%dma_start3A_82 : memref<2048xf32, #tpu.memory_space<vmem>>) target_semaphore(%arg12 : memref<!tpu.dma_semaphore, #tpu.memory_space<semaphore_mem>>)
    %dma_start3A_86 = arith.constant 0 : i32
    %dma_start3A_87 = tpu.memref_slice %arg3[%mul3A_2, %dma_start3A_86] : memref<64x100000xf32, #tpu.memory_space<hbm>> -> memref<1x100000xf32, #tpu.memory_space<hbm>>
    %dma_start3A_88 = tpu.memref_squeeze %dma_start3A_87 : memref<1x100000xf32, #tpu.memory_space<hbm>> -> memref<100000xf32, #tpu.memory_space<hbm>>
    %dma_start3A_89 = arith.constant 0 : i32
    %dma_start3A_90 = tpu.memref_slice %arg3[%mul3A_2, %dma_start3A_89] : memref<64x100000xf32, #tpu.memory_space<hbm>> -> memref<1x100000xf32, #tpu.memory_space<hbm>>
    %dma_start3A_91 = tpu.memref_squeeze %dma_start3A_90 : memref<1x100000xf32, #tpu.memory_space<hbm>> -> memref<100000xf32, #tpu.memory_space<hbm>>
    tpu.enqueue_dma source(%dma_start3A_91 : memref<100000xf32, #tpu.memory_space<hbm>>) target(%arg7 : memref<100000xf32, #tpu.memory_space<vmem>>) target_semaphore(%arg11 : memref<!tpu.dma_semaphore, #tpu.memory_space<semaphore_mem>>)
    %dma_wait3A = arith.constant 0 : i32
    %dma_wait3A_92 = arith.constant 0 : i32
    %dma_wait3A_93 = tpu.memref_slice %arg6[%dma_wait3A_92] : memref<8192xi32, #tpu.memory_space<vmem>> -> memref<2048xi32, #tpu.memory_space<vmem>>
    %dma_wait3A_94 = arith.constant 0 : i32
    %dma_wait3A_95 = tpu.memref_slice %arg2[%dma_wait3A, %dma_wait3A_94] : memref<4x2048xi32, #tpu.memory_space<hbm>> -> memref<1x2048xi32, #tpu.memory_space<hbm>>
    %dma_wait3A_96 = tpu.memref_squeeze %dma_wait3A_95 : memref<1x2048xi32, #tpu.memory_space<hbm>> -> memref<2048xi32, #tpu.memory_space<hbm>>
    %dma_wait3A_97 = arith.constant 0 : i32
    %dma_wait3A_98 = tpu.memref_slice %arg6[%dma_wait3A_97] : memref<8192xi32, #tpu.memory_space<vmem>> -> memref<2048xi32, #tpu.memory_space<vmem>>
    %dma_wait3A_99 = arith.constant 0 : i32
    %dma_wait3A_100 = tpu.memref_slice %arg2[%dma_wait3A, %dma_wait3A_99] : memref<4x2048xi32, #tpu.memory_space<hbm>> -> memref<1x2048xi32, #tpu.memory_space<hbm>>
    %dma_wait3A_101 = tpu.memref_squeeze %dma_wait3A_100 : memref<1x2048xi32, #tpu.memory_space<hbm>> -> memref<2048xi32, #tpu.memory_space<hbm>>
    tpu.wait_dma2 semaphore(%arg10 : memref<!tpu.dma_semaphore, #tpu.memory_space<semaphore_mem>>) src(%dma_wait3A_101 : memref<2048xi32, #tpu.memory_space<hbm>>) dst(%dma_wait3A_98 : memref<2048xi32, #tpu.memory_space<vmem>>)
    %dma_wait3A_102 = arith.constant 1 : i32
    %dma_wait3A_103 = arith.constant 2048 : i32
    %dma_wait3A_104 = tpu.memref_slice %arg6[%dma_wait3A_103] : memref<8192xi32, #tpu.memory_space<vmem>> -> memref<2048xi32, #tpu.memory_space<vmem>>
    %dma_wait3A_105 = arith.constant 0 : i32
    %dma_wait3A_106 = tpu.memref_slice %arg2[%dma_wait3A_102, %dma_wait3A_105] : memref<4x2048xi32, #tpu.memory_space<hbm>> -> memref<1x2048xi32, #tpu.memory_space<hbm>>
    %dma_wait3A_107 = tpu.memref_squeeze %dma_wait3A_106 : memref<1x2048xi32, #tpu.memory_space<hbm>> -> memref<2048xi32, #tpu.memory_space<hbm>>
    %dma_wait3A_108 = arith.constant 2048 : i32
    %dma_wait3A_109 = tpu.memref_slice %arg6[%dma_wait3A_108] : memref<8192xi32, #tpu.memory_space<vmem>> -> memref<2048xi32, #tpu.memory_space<vmem>>
    %dma_wait3A_110 = arith.constant 0 : i32
    %dma_wait3A_111 = tpu.memref_slice %arg2[%dma_wait3A_102, %dma_wait3A_110] : memref<4x2048xi32, #tpu.memory_space<hbm>> -> memref<1x2048xi32, #tpu.memory_space<hbm>>
    %dma_wait3A_112 = tpu.memref_squeeze %dma_wait3A_111 : memref<1x2048xi32, #tpu.memory_space<hbm>> -> memref<2048xi32, #tpu.memory_space<hbm>>
    tpu.wait_dma2 semaphore(%arg10 : memref<!tpu.dma_semaphore, #tpu.memory_space<semaphore_mem>>) src(%dma_wait3A_112 : memref<2048xi32, #tpu.memory_space<hbm>>) dst(%dma_wait3A_109 : memref<2048xi32, #tpu.memory_space<vmem>>)
    %dma_wait3A_113 = arith.constant 2 : i32
    %dma_wait3A_114 = arith.constant 4096 : i32
    %dma_wait3A_115 = tpu.memref_slice %arg6[%dma_wait3A_114] : memref<8192xi32, #tpu.memory_space<vmem>> -> memref<2048xi32, #tpu.memory_space<vmem>>
    %dma_wait3A_116 = arith.constant 0 : i32
    %dma_wait3A_117 = tpu.memref_slice %arg2[%dma_wait3A_113, %dma_wait3A_116] : memref<4x2048xi32, #tpu.memory_space<hbm>> -> memref<1x2048xi32, #tpu.memory_space<hbm>>
    %dma_wait3A_118 = tpu.memref_squeeze %dma_wait3A_117 : memref<1x2048xi32, #tpu.memory_space<hbm>> -> memref<2048xi32, #tpu.memory_space<hbm>>
    %dma_wait3A_119 = arith.constant 4096 : i32
    %dma_wait3A_120 = tpu.memref_slice %arg6[%dma_wait3A_119] : memref<8192xi32, #tpu.memory_space<vmem>> -> memref<2048xi32, #tpu.memory_space<vmem>>
    %dma_wait3A_121 = arith.constant 0 : i32
    %dma_wait3A_122 = tpu.memref_slice %arg2[%dma_wait3A_113, %dma_wait3A_121] : memref<4x2048xi32, #tpu.memory_space<hbm>> -> memref<1x2048xi32, #tpu.memory_space<hbm>>
    %dma_wait3A_123 = tpu.memref_squeeze %dma_wait3A_122 : memref<1x2048xi32, #tpu.memory_space<hbm>> -> memref<2048xi32, #tpu.memory_space<hbm>>
    tpu.wait_dma2 semaphore(%arg10 : memref<!tpu.dma_semaphore, #tpu.memory_space<semaphore_mem>>) src(%dma_wait3A_123 : memref<2048xi32, #tpu.memory_space<hbm>>) dst(%dma_wait3A_120 : memref<2048xi32, #tpu.memory_space<vmem>>)
    %dma_wait3A_124 = arith.constant 3 : i32
    %dma_wait3A_125 = arith.constant 6144 : i32
    %dma_wait3A_126 = tpu.memref_slice %arg6[%dma_wait3A_125] : memref<8192xi32, #tpu.memory_space<vmem>> -> memref<2048xi32, #tpu.memory_space<vmem>>
    %dma_wait3A_127 = arith.constant 0 : i32
    %dma_wait3A_128 = tpu.memref_slice %arg2[%dma_wait3A_124, %dma_wait3A_127] : memref<4x2048xi32, #tpu.memory_space<hbm>> -> memref<1x2048xi32, #tpu.memory_space<hbm>>
    %dma_wait3A_129 = tpu.memref_squeeze %dma_wait3A_128 : memref<1x2048xi32, #tpu.memory_space<hbm>> -> memref<2048xi32, #tpu.memory_space<hbm>>
    %dma_wait3A_130 = arith.constant 6144 : i32
    %dma_wait3A_131 = tpu.memref_slice %arg6[%dma_wait3A_130] : memref<8192xi32, #tpu.memory_space<vmem>> -> memref<2048xi32, #tpu.memory_space<vmem>>
    %dma_wait3A_132 = arith.constant 0 : i32
    %dma_wait3A_133 = tpu.memref_slice %arg2[%dma_wait3A_124, %dma_wait3A_132] : memref<4x2048xi32, #tpu.memory_space<hbm>> -> memref<1x2048xi32, #tpu.memory_space<hbm>>
    %dma_wait3A_134 = tpu.memref_squeeze %dma_wait3A_133 : memref<1x2048xi32, #tpu.memory_space<hbm>> -> memref<2048xi32, #tpu.memory_space<hbm>>
    tpu.wait_dma2 semaphore(%arg10 : memref<!tpu.dma_semaphore, #tpu.memory_space<semaphore_mem>>) src(%dma_wait3A_134 : memref<2048xi32, #tpu.memory_space<hbm>>) dst(%dma_wait3A_131 : memref<2048xi32, #tpu.memory_space<vmem>>)
    %add3A_135 = arith.constant 0 : i32
    %add3A_136 = arith.addi %mul3A_2, %add3A_135 : i32
    %dma_wait3A_137 = arith.constant 0 : i32
    %dma_wait3A_138 = tpu.memref_slice %arg8[%dma_wait3A_137] : memref<8192xf32, #tpu.memory_space<vmem>> -> memref<2048xf32, #tpu.memory_space<vmem>>
    %dma_wait3A_139 = arith.constant 0 : i32
    %dma_wait3A_140 = tpu.memref_slice %arg4[%mul3A_2, %dma_wait3A_139] : memref<64x100000xf32, #tpu.memory_space<hbm>> -> memref<1x2048xf32, #tpu.memory_space<hbm>>
    %dma_wait3A_141 = tpu.memref_squeeze %dma_wait3A_140 : memref<1x2048xf32, #tpu.memory_space<hbm>> -> memref<2048xf32, #tpu.memory_space<hbm>>
    %dma_wait3A_142 = arith.constant 0 : i32
    %dma_wait3A_143 = tpu.memref_slice %arg8[%dma_wait3A_142] : memref<8192xf32, #tpu.memory_space<vmem>> -> memref<2048xf32, #tpu.memory_space<vmem>>
    %dma_wait3A_144 = arith.constant 0 : i32
    %dma_wait3A_145 = tpu.memref_slice %arg4[%mul3A_2, %dma_wait3A_144] : memref<64x100000xf32, #tpu.memory_space<hbm>> -> memref<1x2048xf32, #tpu.memory_space<hbm>>
    %dma_wait3A_146 = tpu.memref_squeeze %dma_wait3A_145 : memref<1x2048xf32, #tpu.memory_space<hbm>> -> memref<2048xf32, #tpu.memory_space<hbm>>
    tpu.wait_dma2 semaphore(%arg12 : memref<!tpu.dma_semaphore, #tpu.memory_space<semaphore_mem>>) src(%dma_wait3A_146 : memref<2048xf32, #tpu.memory_space<hbm>>) dst(%dma_wait3A_143 : memref<2048xf32, #tpu.memory_space<vmem>>)
    %dma_wait3A_147 = arith.constant 2048 : i32
    %dma_wait3A_148 = tpu.memref_slice %arg8[%dma_wait3A_147] : memref<8192xf32, #tpu.memory_space<vmem>> -> memref<2048xf32, #tpu.memory_space<vmem>>
    %dma_wait3A_149 = arith.constant 0 : i32
    %dma_wait3A_150 = tpu.memref_slice %arg4[%mul3A_2, %dma_wait3A_149] : memref<64x100000xf32, #tpu.memory_space<hbm>> -> memref<1x2048xf32, #tpu.memory_space<hbm>>
    %dma_wait3A_151 = tpu.memref_squeeze %dma_wait3A_150 : memref<1x2048xf32, #tpu.memory_space<hbm>> -> memref<2048xf32, #tpu.memory_space<hbm>>
    %dma_wait3A_152 = arith.constant 2048 : i32
    %dma_wait3A_153 = tpu.memref_slice %arg8[%dma_wait3A_152] : memref<8192xf32, #tpu.memory_space<vmem>> -> memref<2048xf32, #tpu.memory_space<vmem>>
    %dma_wait3A_154 = arith.constant 0 : i32
    %dma_wait3A_155 = tpu.memref_slice %arg4[%mul3A_2, %dma_wait3A_154] : memref<64x100000xf32, #tpu.memory_space<hbm>> -> memref<1x2048xf32, #tpu.memory_space<hbm>>
    %dma_wait3A_156 = tpu.memref_squeeze %dma_wait3A_155 : memref<1x2048xf32, #tpu.memory_space<hbm>> -> memref<2048xf32, #tpu.memory_space<hbm>>
    tpu.wait_dma2 semaphore(%arg12 : memref<!tpu.dma_semaphore, #tpu.memory_space<semaphore_mem>>) src(%dma_wait3A_156 : memref<2048xf32, #tpu.memory_space<hbm>>) dst(%dma_wait3A_153 : memref<2048xf32, #tpu.memory_space<vmem>>)
    %dma_wait3A_157 = arith.constant 4096 : i32
    %dma_wait3A_158 = tpu.memref_slice %arg8[%dma_wait3A_157] : memref<8192xf32, #tpu.memory_space<vmem>> -> memref<2048xf32, #tpu.memory_space<vmem>>
    %dma_wait3A_159 = arith.constant 0 : i32
    %dma_wait3A_160 = tpu.memref_slice %arg4[%mul3A_2, %dma_wait3A_159] : memref<64x100000xf32, #tpu.memory_space<hbm>> -> memref<1x2048xf32, #tpu.memory_space<hbm>>
    %dma_wait3A_161 = tpu.memref_squeeze %dma_wait3A_160 : memref<1x2048xf32, #tpu.memory_space<hbm>> -> memref<2048xf32, #tpu.memory_space<hbm>>
    %dma_wait3A_162 = arith.constant 4096 : i32
    %dma_wait3A_163 = tpu.memref_slice %arg8[%dma_wait3A_162] : memref<8192xf32, #tpu.memory_space<vmem>> -> memref<2048xf32, #tpu.memory_space<vmem>>
    %dma_wait3A_164 = arith.constant 0 : i32
    %dma_wait3A_165 = tpu.memref_slice %arg4[%mul3A_2, %dma_wait3A_164] : memref<64x100000xf32, #tpu.memory_space<hbm>> -> memref<1x2048xf32, #tpu.memory_space<hbm>>
    %dma_wait3A_166 = tpu.memref_squeeze %dma_wait3A_165 : memref<1x2048xf32, #tpu.memory_space<hbm>> -> memref<2048xf32, #tpu.memory_space<hbm>>
    tpu.wait_dma2 semaphore(%arg12 : memref<!tpu.dma_semaphore, #tpu.memory_space<semaphore_mem>>) src(%dma_wait3A_166 : memref<2048xf32, #tpu.memory_space<hbm>>) dst(%dma_wait3A_163 : memref<2048xf32, #tpu.memory_space<vmem>>)
    %dma_wait3A_167 = arith.constant 6144 : i32
    %dma_wait3A_168 = tpu.memref_slice %arg8[%dma_wait3A_167] : memref<8192xf32, #tpu.memory_space<vmem>> -> memref<2048xf32, #tpu.memory_space<vmem>>
    %dma_wait3A_169 = arith.constant 0 : i32
    %dma_wait3A_170 = tpu.memref_slice %arg4[%mul3A_2, %dma_wait3A_169] : memref<64x100000xf32, #tpu.memory_space<hbm>> -> memref<1x2048xf32, #tpu.memory_space<hbm>>
    %dma_wait3A_171 = tpu.memref_squeeze %dma_wait3A_170 : memref<1x2048xf32, #tpu.memory_space<hbm>> -> memref<2048xf32, #tpu.memory_space<hbm>>
    %dma_wait3A_172 = arith.constant 6144 : i32
    %dma_wait3A_173 = tpu.memref_slice %arg8[%dma_wait3A_172] : memref<8192xf32, #tpu.memory_space<vmem>> -> memref<2048xf32, #tpu.memory_space<vmem>>
    %dma_wait3A_174 = arith.constant 0 : i32
    %dma_wait3A_175 = tpu.memref_slice %arg4[%mul3A_2, %dma_wait3A_174] : memref<64x100000xf32, #tpu.memory_space<hbm>> -> memref<1x2048xf32, #tpu.memory_space<hbm>>
    %dma_wait3A_176 = tpu.memref_squeeze %dma_wait3A_175 : memref<1x2048xf32, #tpu.memory_space<hbm>> -> memref<2048xf32, #tpu.memory_space<hbm>>
    tpu.wait_dma2 semaphore(%arg12 : memref<!tpu.dma_semaphore, #tpu.memory_space<semaphore_mem>>) src(%dma_wait3A_176 : memref<2048xf32, #tpu.memory_space<hbm>>) dst(%dma_wait3A_173 : memref<2048xf32, #tpu.memory_space<vmem>>)
    %dma_wait3A_177 = arith.constant 0 : i32
    %dma_wait3A_178 = tpu.memref_slice %arg3[%mul3A_2, %dma_wait3A_177] : memref<64x100000xf32, #tpu.memory_space<hbm>> -> memref<1x100000xf32, #tpu.memory_space<hbm>>
    %dma_wait3A_179 = tpu.memref_squeeze %dma_wait3A_178 : memref<1x100000xf32, #tpu.memory_space<hbm>> -> memref<100000xf32, #tpu.memory_space<hbm>>
    %dma_wait3A_180 = arith.constant 0 : i32
    %dma_wait3A_181 = tpu.memref_slice %arg3[%mul3A_2, %dma_wait3A_180] : memref<64x100000xf32, #tpu.memory_space<hbm>> -> memref<1x100000xf32, #tpu.memory_space<hbm>>
    %dma_wait3A_182 = tpu.memref_squeeze %dma_wait3A_181 : memref<1x100000xf32, #tpu.memory_space<hbm>> -> memref<100000xf32, #tpu.memory_space<hbm>>
    tpu.wait_dma2 semaphore(%arg11 : memref<!tpu.dma_semaphore, #tpu.memory_space<semaphore_mem>>) src(%dma_wait3A_182 : memref<100000xf32, #tpu.memory_space<hbm>>) dst(%arg7 : memref<100000xf32, #tpu.memory_space<vmem>>)
    %scan3A = arith.constant 0 : i32
    %scan3A_183 = arith.constant 64 : i32
    %scan3A_184 = arith.addi %scan3A, %scan3A_183 : i32
    %scan3A_185 = arith.constant 2 : i32
    scf.for %scan3A_472 = %scan3A to %scan3A_184 step %scan3A_185  : i32 {
      %add3A_473 = arith.constant 0 : i32
      %add3A_474 = arith.addi %scan3A_472, %add3A_473 : i32
      %mul3A_475 = arith.constant 16 : i32
      %mul3A_476 = arith.muli %add3A_474, %mul3A_475 : i32
      %get3A = arith.index_cast %mul3A_476 : i32 to index
      %get3A_477 = tpu.vector_load %arg6[%get3A] {strides = array<i32>} : memref<8192xi32, #tpu.memory_space<vmem>>, vector<16xi32>,
      %gather3A = tpu.vector_load_idx %arg7[%get3A_477] : memref<100000xf32, #tpu.memory_space<vmem>>[vector<16xi32>], vector<16xf32>,
      %add3A_478 = arith.constant 64 : i32
      %add3A_479 = arith.addi %scan3A_472, %add3A_478 : i32
      %mul3A_480 = arith.constant 16 : i32
      %mul3A_481 = arith.muli %add3A_479, %mul3A_480 : i32
      %get3A_482 = arith.index_cast %mul3A_481 : i32 to index
      %get3A_483 = tpu.vector_load %arg6[%get3A_482] {strides = array<i32>} : memref<8192xi32, #tpu.memory_space<vmem>>, vector<16xi32>,
      %gather3A_484 = tpu.vector_load_idx %arg7[%get3A_483] : memref<100000xf32, #tpu.memory_space<vmem>>[vector<16xi32>], vector<16xf32>,
      %add3A_485 = arith.constant 128 : i32
      %add3A_486 = arith.addi %scan3A_472, %add3A_485 : i32
      %mul3A_487 = arith.constant 16 : i32
      %mul3A_488 = arith.muli %add3A_486, %mul3A_487 : i32
      %get3A_489 = arith.index_cast %mul3A_488 : i32 to index
      %get3A_490 = tpu.vector_load %arg6[%get3A_489] {strides = array<i32>} : memref<8192xi32, #tpu.memory_space<vmem>>, vector<16xi32>,
      %gather3A_491 = tpu.vector_load_idx %arg7[%get3A_490] : memref<100000xf32, #tpu.memory_space<vmem>>[vector<16xi32>], vector<16xf32>,
      %add3A_492 = arith.constant 192 : i32
      %add3A_493 = arith.addi %scan3A_472, %add3A_492 : i32
      %mul3A_494 = arith.constant 16 : i32
      %mul3A_495 = arith.muli %add3A_493, %mul3A_494 : i32
      %get3A_496 = arith.index_cast %mul3A_495 : i32 to index
      %get3A_497 = tpu.vector_load %arg6[%get3A_496] {strides = array<i32>} : memref<8192xi32, #tpu.memory_space<vmem>>, vector<16xi32>,
      %gather3A_498 = tpu.vector_load_idx %arg7[%get3A_497] : memref<100000xf32, #tpu.memory_space<vmem>>[vector<16xi32>], vector<16xf32>,
      %add3A_499 = arith.constant 256 : i32
      %add3A_500 = arith.addi %scan3A_472, %add3A_499 : i32
      %mul3A_501 = arith.constant 16 : i32
      %mul3A_502 = arith.muli %add3A_500, %mul3A_501 : i32
      %get3A_503 = arith.index_cast %mul3A_502 : i32 to index
      %get3A_504 = tpu.vector_load %arg6[%get3A_503] {strides = array<i32>} : memref<8192xi32, #tpu.memory_space<vmem>>, vector<16xi32>,
      %gather3A_505 = tpu.vector_load_idx %arg7[%get3A_504] : memref<100000xf32, #tpu.memory_space<vmem>>[vector<16xi32>], vector<16xf32>,
      %add3A_506 = arith.constant 320 : i32
      %add3A_507 = arith.addi %scan3A_472, %add3A_506 : i32
      %mul3A_508 = arith.constant 16 : i32
      %mul3A_509 = arith.muli %add3A_507, %mul3A_508 : i32
      %get3A_510 = arith.index_cast %mul3A_509 : i32 to index
      %get3A_511 = tpu.vector_load %arg6[%get3A_510] {strides = array<i32>} : memref<8192xi32, #tpu.memory_space<vmem>>, vector<16xi32>,
      %gather3A_512 = tpu.vector_load_idx %arg7[%get3A_511] : memref<100000xf32, #tpu.memory_space<vmem>>[vector<16xi32>], vector<16xf32>,
      %add3A_513 = arith.constant 384 : i32
      %add3A_514 = arith.addi %scan3A_472, %add3A_513 : i32
      %mul3A_515 = arith.constant 16 : i32
      %mul3A_516 = arith.muli %add3A_514, %mul3A_515 : i32
      %get3A_517 = arith.index_cast %mul3A_516 : i32 to index
      %get3A_518 = tpu.vector_load %arg6[%get3A_517] {strides = array<i32>} : memref<8192xi32, #tpu.memory_space<vmem>>, vector<16xi32>,
      %gather3A_519 = tpu.vector_load_idx %arg7[%get3A_518] : memref<100000xf32, #tpu.memory_space<vmem>>[vector<16xi32>], vector<16xf32>,
      %add3A_520 = arith.constant 448 : i32
      %add3A_521 = arith.addi %scan3A_472, %add3A_520 : i32
      %mul3A_522 = arith.constant 16 : i32
      %mul3A_523 = arith.muli %add3A_521, %mul3A_522 : i32
      %get3A_524 = arith.index_cast %mul3A_523 : i32 to index
      %get3A_525 = tpu.vector_load %arg6[%get3A_524] {strides = array<i32>} : memref<8192xi32, #tpu.memory_space<vmem>>, vector<16xi32>,
      %gather3A_526 = tpu.vector_load_idx %arg7[%get3A_525] : memref<100000xf32, #tpu.memory_space<vmem>>[vector<16xi32>], vector<16xf32>,
      %mul3A_527 = arith.constant 8.000000e+00 : f32
      %mul3A_528 = vector.broadcast %mul3A_527 : f32 to vector<16xf32>
      %mul3A_529 = arith.mulf %gather3A, %mul3A_528 : vector<16xf32>
      %swap3A = arith.index_cast %mul3A_476 : i32 to index
      %swap3A_530 = tpu.vector_load %arg8[%swap3A] {strides = array<i32>} : memref<8192xf32, #tpu.memory_space<vmem>>, vector<16xf32>,
      tpu.vector_store %arg8[%swap3A], %mul3A_529 {add = true, strides = array<i32>} : memref<8192xf32, #tpu.memory_space<vmem>>, vector<16xf32>,
      %mul3A_531 = arith.constant 8.000000e+00 : f32
      %mul3A_532 = vector.broadcast %mul3A_531 : f32 to vector<16xf32>
      %mul3A_533 = arith.mulf %gather3A_484, %mul3A_532 : vector<16xf32>
      %swap3A_534 = arith.index_cast %mul3A_481 : i32 to index
      %swap3A_535 = tpu.vector_load %arg8[%swap3A_534] {strides = array<i32>} : memref<8192xf32, #tpu.memory_space<vmem>>, vector<16xf32>,
      tpu.vector_store %arg8[%swap3A_534], %mul3A_533 {add = true, strides = array<i32>} : memref<8192xf32, #tpu.memory_space<vmem>>, vector<16xf32>,
      %mul3A_536 = arith.constant 8.000000e+00 : f32
      %mul3A_537 = vector.broadcast %mul3A_536 : f32 to vector<16xf32>
      %mul3A_538 = arith.mulf %gather3A_491, %mul3A_537 : vector<16xf32>
      %swap3A_539 = arith.index_cast %mul3A_488 : i32 to index
      %swap3A_540 = tpu.vector_load %arg8[%swap3A_539] {strides = array<i32>} : memref<8192xf32, #tpu.memory_space<vmem>>, vector<16xf32>,
      tpu.vector_store %arg8[%swap3A_539], %mul3A_538 {add = true, strides = array<i32>} : memref<8192xf32, #tpu.memory_space<vmem>>, vector<16xf32>,
      %mul3A_541 = arith.constant 8.000000e+00 : f32
      %mul3A_542 = vector.broadcast %mul3A_541 : f32 to vector<16xf32>
      %mul3A_543 = arith.mulf %gather3A_498, %mul3A_542 : vector<16xf32>
      %swap3A_544 = arith.index_cast %mul3A_495 : i32 to index
      %swap3A_545 = tpu.vector_load %arg8[%swap3A_544] {strides = array<i32>} : memref<8192xf32, #tpu.memory_space<vmem>>, vector<16xf32>,
      tpu.vector_store %arg8[%swap3A_544], %mul3A_543 {add = true, strides = array<i32>} : memref<8192xf32, #tpu.memory_space<vmem>>, vector<16xf32>,
      %mul3A_546 = arith.constant 8.000000e+00 : f32
      %mul3A_547 = vector.broadcast %mul3A_546 : f32 to vector<16xf32>
      %mul3A_548 = arith.mulf %gather3A_505, %mul3A_547 : vector<16xf32>
      %swap3A_549 = arith.index_cast %mul3A_502 : i32 to index
      %swap3A_550 = tpu.vector_load %arg8[%swap3A_549] {strides = array<i32>} : memref<8192xf32, #tpu.memory_space<vmem>>, vector<16xf32>,
      tpu.vector_store %arg8[%swap3A_549], %mul3A_548 {add = true, strides = array<i32>} : memref<8192xf32, #tpu.memory_space<vmem>>, vector<16xf32>,
      %mul3A_551 = arith.constant 8.000000e+00 : f32
      %mul3A_552 = vector.broadcast %mul3A_551 : f32 to vector<16xf32>
      %mul3A_553 = arith.mulf %gather3A_512, %mul3A_552 : vector<16xf32>
      %swap3A_554 = arith.index_cast %mul3A_509 : i32 to index
      %swap3A_555 = tpu.vector_load %arg8[%swap3A_554] {strides = array<i32>} : memref<8192xf32, #tpu.memory_space<vmem>>, vector<16xf32>,
      tpu.vector_store %arg8[%swap3A_554], %mul3A_553 {add = true, strides = array<i32>} : memref<8192xf32, #tpu.memory_space<vmem>>, vector<16xf32>,
      %mul3A_556 = arith.constant 8.000000e+00 : f32
      %mul3A_557 = vector.broadcast %mul3A_556 : f32 to vector<16xf32>
      %mul3A_558 = arith.mulf %gather3A_519, %mul3A_557 : vector<16xf32>
      %swap3A_559 = arith.index_cast %mul3A_516 : i32 to index
      %swap3A_560 = tpu.vector_load %arg8[%swap3A_559] {strides = array<i32>} : memref<8192xf32, #tpu.memory_space<vmem>>, vector<16xf32>,
      tpu.vector_store %arg8[%swap3A_559], %mul3A_558 {add = true, strides = array<i32>} : memref<8192xf32, #tpu.memory_space<vmem>>, vector<16xf32>,
      %mul3A_561 = arith.constant 8.000000e+00 : f32
      %mul3A_562 = vector.broadcast %mul3A_561 : f32 to vector<16xf32>
      %mul3A_563 = arith.mulf %gather3A_526, %mul3A_562 : vector<16xf32>
      %swap3A_564 = arith.index_cast %mul3A_523 : i32 to index
      %swap3A_565 = tpu.vector_load %arg8[%swap3A_564] {strides = array<i32>} : memref<8192xf32, #tpu.memory_space<vmem>>, vector<16xf32>,
      tpu.vector_store %arg8[%swap3A_564], %mul3A_563 {add = true, strides = array<i32>} : memref<8192xf32, #tpu.memory_space<vmem>>, vector<16xf32>,
      %scan3A_566 = arith.constant 1 : i32
      %scan3A_567 = arith.addi %scan3A_472, %scan3A_566 : i32
      %add3A_568 = arith.constant 0 : i32
      %add3A_569 = arith.addi %scan3A_567, %add3A_568 : i32
      %mul3A_570 = arith.constant 16 : i32
      %mul3A_571 = arith.muli %add3A_569, %mul3A_570 : i32
      %get3A_572 = arith.index_cast %mul3A_571 : i32 to index
      %get3A_573 = tpu.vector_load %arg6[%get3A_572] {strides = array<i32>} : memref<8192xi32, #tpu.memory_space<vmem>>, vector<16xi32>,
      %gather3A_574 = tpu.vector_load_idx %arg7[%get3A_573] : memref<100000xf32, #tpu.memory_space<vmem>>[vector<16xi32>], vector<16xf32>,
      %add3A_575 = arith.constant 64 : i32
      %add3A_576 = arith.addi %scan3A_567, %add3A_575 : i32
      %mul3A_577 = arith.constant 16 : i32
      %mul3A_578 = arith.muli %add3A_576, %mul3A_577 : i32
      %get3A_579 = arith.index_cast %mul3A_578 : i32 to index
      %get3A_580 = tpu.vector_load %arg6[%get3A_579] {strides = array<i32>} : memref<8192xi32, #tpu.memory_space<vmem>>, vector<16xi32>,
      %gather3A_581 = tpu.vector_load_idx %arg7[%get3A_580] : memref<100000xf32, #tpu.memory_space<vmem>>[vector<16xi32>], vector<16xf32>,
      %add3A_582 = arith.constant 128 : i32
      %add3A_583 = arith.addi %scan3A_567, %add3A_582 : i32
      %mul3A_584 = arith.constant 16 : i32
      %mul3A_585 = arith.muli %add3A_583, %mul3A_584 : i32
      %get3A_586 = arith.index_cast %mul3A_585 : i32 to index
      %get3A_587 = tpu.vector_load %arg6[%get3A_586] {strides = array<i32>} : memref<8192xi32, #tpu.memory_space<vmem>>, vector<16xi32>,
      %gather3A_588 = tpu.vector_load_idx %arg7[%get3A_587] : memref<100000xf32, #tpu.memory_space<vmem>>[vector<16xi32>], vector<16xf32>,
      %add3A_589 = arith.constant 192 : i32
      %add3A_590 = arith.addi %scan3A_567, %add3A_589 : i32
      %mul3A_591 = arith.constant 16 : i32
      %mul3A_592 = arith.muli %add3A_590, %mul3A_591 : i32
      %get3A_593 = arith.index_cast %mul3A_592 : i32 to index
      %get3A_594 = tpu.vector_load %arg6[%get3A_593] {strides = array<i32>} : memref<8192xi32, #tpu.memory_space<vmem>>, vector<16xi32>,
      %gather3A_595 = tpu.vector_load_idx %arg7[%get3A_594] : memref<100000xf32, #tpu.memory_space<vmem>>[vector<16xi32>], vector<16xf32>,
      %add3A_596 = arith.constant 256 : i32
      %add3A_597 = arith.addi %scan3A_567, %add3A_596 : i32
      %mul3A_598 = arith.constant 16 : i32
      %mul3A_599 = arith.muli %add3A_597, %mul3A_598 : i32
      %get3A_600 = arith.index_cast %mul3A_599 : i32 to index
      %get3A_601 = tpu.vector_load %arg6[%get3A_600] {strides = array<i32>} : memref<8192xi32, #tpu.memory_space<vmem>>, vector<16xi32>,
      %gather3A_602 = tpu.vector_load_idx %arg7[%get3A_601] : memref<100000xf32, #tpu.memory_space<vmem>>[vector<16xi32>], vector<16xf32>,
      %add3A_603 = arith.constant 320 : i32
      %add3A_604 = arith.addi %scan3A_567, %add3A_603 : i32
      %mul3A_605 = arith.constant 16 : i32
      %mul3A_606 = arith.muli %add3A_604, %mul3A_605 : i32
      %get3A_607 = arith.index_cast %mul3A_606 : i32 to index
      %get3A_608 = tpu.vector_load %arg6[%get3A_607] {strides = array<i32>} : memref<8192xi32, #tpu.memory_space<vmem>>, vector<16xi32>,
      %gather3A_609 = tpu.vector_load_idx %arg7[%get3A_608] : memref<100000xf32, #tpu.memory_space<vmem>>[vector<16xi32>], vector<16xf32>,
      %add3A_610 = arith.constant 384 : i32
      %add3A_611 = arith.addi %scan3A_567, %add3A_610 : i32
      %mul3A_612 = arith.constant 16 : i32
      %mul3A_613 = arith.muli %add3A_611, %mul3A_612 : i32
      %get3A_614 = arith.index_cast %mul3A_613 : i32 to index
      %get3A_615 = tpu.vector_load %arg6[%get3A_614] {strides = array<i32>} : memref<8192xi32, #tpu.memory_space<vmem>>, vector<16xi32>,
      %gather3A_616 = tpu.vector_load_idx %arg7[%get3A_615] : memref<100000xf32, #tpu.memory_space<vmem>>[vector<16xi32>], vector<16xf32>,
      %add3A_617 = arith.constant 448 : i32
      %add3A_618 = arith.addi %scan3A_567, %add3A_617 : i32
      %mul3A_619 = arith.constant 16 : i32
      %mul3A_620 = arith.muli %add3A_618, %mul3A_619 : i32
      %get3A_621 = arith.index_cast %mul3A_620 : i32 to index
      %get3A_622 = tpu.vector_load %arg6[%get3A_621] {strides = array<i32>} : memref<8192xi32, #tpu.memory_space<vmem>>, vector<16xi32>,
      %gather3A_623 = tpu.vector_load_idx %arg7[%get3A_622] : memref<100000xf32, #tpu.memory_space<vmem>>[vector<16xi32>], vector<16xf32>,
      %mul3A_624 = arith.constant 8.000000e+00 : f32
      %mul3A_625 = vector.broadcast %mul3A_624 : f32 to vector<16xf32>
      %mul3A_626 = arith.mulf %gather3A_574, %mul3A_625 : vector<16xf32>
      %swap3A_627 = arith.index_cast %mul3A_571 : i32 to index
      %swap3A_628 = tpu.vector_load %arg8[%swap3A_627] {strides = array<i32>} : memref<8192xf32, #tpu.memory_space<vmem>>, vector<16xf32>,
      tpu.vector_store %arg8[%swap3A_627], %mul3A_626 {add = true, strides = array<i32>} : memref<8192xf32, #tpu.memory_space<vmem>>, vector<16xf32>,
      %mul3A_629 = arith.constant 8.000000e+00 : f32
      %mul3A_630 = vector.broadcast %mul3A_629 : f32 to vector<16xf32>
      %mul3A_631 = arith.mulf %gather3A_581, %mul3A_630 : vector<16xf32>
      %swap3A_632 = arith.index_cast %mul3A_578 : i32 to index
      %swap3A_633 = tpu.vector_load %arg8[%swap3A_632] {strides = array<i32>} : memref<8192xf32, #tpu.memory_space<vmem>>, vector<16xf32>,
      tpu.vector_store %arg8[%swap3A_632], %mul3A_631 {add = true, strides = array<i32>} : memref<8192xf32, #tpu.memory_space<vmem>>, vector<16xf32>,
      %mul3A_634 = arith.constant 8.000000e+00 : f32
      %mul3A_635 = vector.broadcast %mul3A_634 : f32 to vector<16xf32>
      %mul3A_636 = arith.mulf %gather3A_588, %mul3A_635 : vector<16xf32>
      %swap3A_637 = arith.index_cast %mul3A_585 : i32 to index
      %swap3A_638 = tpu.vector_load %arg8[%swap3A_637] {strides = array<i32>} : memref<8192xf32, #tpu.memory_space<vmem>>, vector<16xf32>,
      tpu.vector_store %arg8[%swap3A_637], %mul3A_636 {add = true, strides = array<i32>} : memref<8192xf32, #tpu.memory_space<vmem>>, vector<16xf32>,
      %mul3A_639 = arith.constant 8.000000e+00 : f32
      %mul3A_640 = vector.broadcast %mul3A_639 : f32 to vector<16xf32>
      %mul3A_641 = arith.mulf %gather3A_595, %mul3A_640 : vector<16xf32>
      %swap3A_642 = arith.index_cast %mul3A_592 : i32 to index
      %swap3A_643 = tpu.vector_load %arg8[%swap3A_642] {strides = array<i32>} : memref<8192xf32, #tpu.memory_space<vmem>>, vector<16xf32>,
      tpu.vector_store %arg8[%swap3A_642], %mul3A_641 {add = true, strides = array<i32>} : memref<8192xf32, #tpu.memory_space<vmem>>, vector<16xf32>,
      %mul3A_644 = arith.constant 8.000000e+00 : f32
      %mul3A_645 = vector.broadcast %mul3A_644 : f32 to vector<16xf32>
      %mul3A_646 = arith.mulf %gather3A_602, %mul3A_645 : vector<16xf32>
      %swap3A_647 = arith.index_cast %mul3A_599 : i32 to index
      %swap3A_648 = tpu.vector_load %arg8[%swap3A_647] {strides = array<i32>} : memref<8192xf32, #tpu.memory_space<vmem>>, vector<16xf32>,
      tpu.vector_store %arg8[%swap3A_647], %mul3A_646 {add = true, strides = array<i32>} : memref<8192xf32, #tpu.memory_space<vmem>>, vector<16xf32>,
      %mul3A_649 = arith.constant 8.000000e+00 : f32
      %mul3A_650 = vector.broadcast %mul3A_649 : f32 to vector<16xf32>
      %mul3A_651 = arith.mulf %gather3A_609, %mul3A_650 : vector<16xf32>
      %swap3A_652 = arith.index_cast %mul3A_606 : i32 to index
      %swap3A_653 = tpu.vector_load %arg8[%swap3A_652] {strides = array<i32>} : memref<8192xf32, #tpu.memory_space<vmem>>, vector<16xf32>,
      tpu.vector_store %arg8[%swap3A_652], %mul3A_651 {add = true, strides = array<i32>} : memref<8192xf32, #tpu.memory_space<vmem>>, vector<16xf32>,
      %mul3A_654 = arith.constant 8.000000e+00 : f32
      %mul3A_655 = vector.broadcast %mul3A_654 : f32 to vector<16xf32>
      %mul3A_656 = arith.mulf %gather3A_616, %mul3A_655 : vector<16xf32>
      %swap3A_657 = arith.index_cast %mul3A_613 : i32 to index
      %swap3A_658 = tpu.vector_load %arg8[%swap3A_657] {strides = array<i32>} : memref<8192xf32, #tpu.memory_space<vmem>>, vector<16xf32>,
      tpu.vector_store %arg8[%swap3A_657], %mul3A_656 {add = true, strides = array<i32>} : memref<8192xf32, #tpu.memory_space<vmem>>, vector<16xf32>,
      %mul3A_659 = arith.constant 8.000000e+00 : f32
      %mul3A_660 = vector.broadcast %mul3A_659 : f32 to vector<16xf32>
      %mul3A_661 = arith.mulf %gather3A_623, %mul3A_660 : vector<16xf32>
      %swap3A_662 = arith.index_cast %mul3A_620 : i32 to index
      %swap3A_663 = tpu.vector_load %arg8[%swap3A_662] {strides = array<i32>} : memref<8192xf32, #tpu.memory_space<vmem>>, vector<16xf32>,
      tpu.vector_store %arg8[%swap3A_662], %mul3A_661 {add = true, strides = array<i32>} : memref<8192xf32, #tpu.memory_space<vmem>>, vector<16xf32>,
    }
    %scan3A_186 = arith.constant 64 : i32
    %add3A_187 = arith.constant 1 : i32
    %add3A_188 = arith.addi %add3A_136, %add3A_187 : i32
    %dma_start3A_189 = arith.constant 0 : i32
    %dma_start3A_190 = tpu.memref_slice %arg3[%add3A_188, %dma_start3A_189] : memref<64x100000xf32, #tpu.memory_space<hbm>> -> memref<1x100000xf32, #tpu.memory_space<hbm>>
    %dma_start3A_191 = tpu.memref_squeeze %dma_start3A_190 : memref<1x100000xf32, #tpu.memory_space<hbm>> -> memref<100000xf32, #tpu.memory_space<hbm>>
    %dma_start3A_192 = arith.constant 0 : i32
    %dma_start3A_193 = tpu.memref_slice %arg3[%add3A_188, %dma_start3A_192] : memref<64x100000xf32, #tpu.memory_space<hbm>> -> memref<1x100000xf32, #tpu.memory_space<hbm>>
    %dma_start3A_194 = tpu.memref_squeeze %dma_start3A_193 : memref<1x100000xf32, #tpu.memory_space<hbm>> -> memref<100000xf32, #tpu.memory_space<hbm>>
    tpu.enqueue_dma source(%dma_start3A_194 : memref<100000xf32, #tpu.memory_space<hbm>>) target(%arg7 : memref<100000xf32, #tpu.memory_space<vmem>>) target_semaphore(%arg11 : memref<!tpu.dma_semaphore, #tpu.memory_space<semaphore_mem>>)
    %add3A_195 = arith.constant 1 : i32
    %add3A_196 = arith.addi %add3A_136, %add3A_195 : i32
    %dma_start3A_197 = arith.constant 0 : i32
    %dma_start3A_198 = tpu.memref_slice %arg9[%dma_start3A_197] : memref<8192xf32, #tpu.memory_space<vmem>> -> memref<2048xf32, #tpu.memory_space<vmem>>
    %dma_start3A_199 = arith.constant 0 : i32
    %dma_start3A_200 = tpu.memref_slice %arg4[%add3A_196, %dma_start3A_199] : memref<64x100000xf32, #tpu.memory_space<hbm>> -> memref<1x2048xf32, #tpu.memory_space<hbm>>
    %dma_start3A_201 = tpu.memref_squeeze %dma_start3A_200 : memref<1x2048xf32, #tpu.memory_space<hbm>> -> memref<2048xf32, #tpu.memory_space<hbm>>
    %dma_start3A_202 = arith.constant 0 : i32
    %dma_start3A_203 = tpu.memref_slice %arg9[%dma_start3A_202] : memref<8192xf32, #tpu.memory_space<vmem>> -> memref<2048xf32, #tpu.memory_space<vmem>>
    %dma_start3A_204 = arith.constant 0 : i32
    %dma_start3A_205 = tpu.memref_slice %arg4[%add3A_196, %dma_start3A_204] : memref<64x100000xf32, #tpu.memory_space<hbm>> -> memref<1x2048xf32, #tpu.memory_space<hbm>>
    %dma_start3A_206 = tpu.memref_squeeze %dma_start3A_205 : memref<1x2048xf32, #tpu.memory_space<hbm>> -> memref<2048xf32, #tpu.memory_space<hbm>>
    tpu.enqueue_dma source(%dma_start3A_206 : memref<2048xf32, #tpu.memory_space<hbm>>) target(%dma_start3A_203 : memref<2048xf32, #tpu.memory_space<vmem>>) target_semaphore(%arg12 : memref<!tpu.dma_semaphore, #tpu.memory_space<semaphore_mem>>)
    %add3A_207 = arith.constant 1 : i32
    %add3A_208 = arith.addi %add3A_136, %add3A_207 : i32
    %dma_start3A_209 = arith.constant 2048 : i32
    %dma_start3A_210 = tpu.memref_slice %arg9[%dma_start3A_209] : memref<8192xf32, #tpu.memory_space<vmem>> -> memref<2048xf32, #tpu.memory_space<vmem>>
    %dma_start3A_211 = arith.constant 0 : i32
    %dma_start3A_212 = tpu.memref_slice %arg4[%add3A_208, %dma_start3A_211] : memref<64x100000xf32, #tpu.memory_space<hbm>> -> memref<1x2048xf32, #tpu.memory_space<hbm>>
    %dma_start3A_213 = tpu.memref_squeeze %dma_start3A_212 : memref<1x2048xf32, #tpu.memory_space<hbm>> -> memref<2048xf32, #tpu.memory_space<hbm>>
    %dma_start3A_214 = arith.constant 2048 : i32
    %dma_start3A_215 = tpu.memref_slice %arg9[%dma_start3A_214] : memref<8192xf32, #tpu.memory_space<vmem>> -> memref<2048xf32, #tpu.memory_space<vmem>>
    %dma_start3A_216 = arith.constant 0 : i32
    %dma_start3A_217 = tpu.memref_slice %arg4[%add3A_208, %dma_start3A_216] : memref<64x100000xf32, #tpu.memory_space<hbm>> -> memref<1x2048xf32, #tpu.memory_space<hbm>>
    %dma_start3A_218 = tpu.memref_squeeze %dma_start3A_217 : memref<1x2048xf32, #tpu.memory_space<hbm>> -> memref<2048xf32, #tpu.memory_space<hbm>>
    tpu.enqueue_dma source(%dma_start3A_218 : memref<2048xf32, #tpu.memory_space<hbm>>) target(%dma_start3A_215 : memref<2048xf32, #tpu.memory_space<vmem>>) target_semaphore(%arg12 : memref<!tpu.dma_semaphore, #tpu.memory_space<semaphore_mem>>)
    %add3A_219 = arith.constant 1 : i32
    %add3A_220 = arith.addi %add3A_136, %add3A_219 : i32
    %dma_start3A_221 = arith.constant 4096 : i32
    %dma_start3A_222 = tpu.memref_slice %arg9[%dma_start3A_221] : memref<8192xf32, #tpu.memory_space<vmem>> -> memref<2048xf32, #tpu.memory_space<vmem>>
    %dma_start3A_223 = arith.constant 0 : i32
    %dma_start3A_224 = tpu.memref_slice %arg4[%add3A_220, %dma_start3A_223] : memref<64x100000xf32, #tpu.memory_space<hbm>> -> memref<1x2048xf32, #tpu.memory_space<hbm>>
    %dma_start3A_225 = tpu.memref_squeeze %dma_start3A_224 : memref<1x2048xf32, #tpu.memory_space<hbm>> -> memref<2048xf32, #tpu.memory_space<hbm>>
    %dma_start3A_226 = arith.constant 4096 : i32
    %dma_start3A_227 = tpu.memref_slice %arg9[%dma_start3A_226] : memref<8192xf32, #tpu.memory_space<vmem>> -> memref<2048xf32, #tpu.memory_space<vmem>>
    %dma_start3A_228 = arith.constant 0 : i32
    %dma_start3A_229 = tpu.memref_slice %arg4[%add3A_220, %dma_start3A_228] : memref<64x100000xf32, #tpu.memory_space<hbm>> -> memref<1x2048xf32, #tpu.memory_space<hbm>>
    %dma_start3A_230 = tpu.memref_squeeze %dma_start3A_229 : memref<1x2048xf32, #tpu.memory_space<hbm>> -> memref<2048xf32, #tpu.memory_space<hbm>>
    tpu.enqueue_dma source(%dma_start3A_230 : memref<2048xf32, #tpu.memory_space<hbm>>) target(%dma_start3A_227 : memref<2048xf32, #tpu.memory_space<vmem>>) target_semaphore(%arg12 : memref<!tpu.dma_semaphore, #tpu.memory_space<semaphore_mem>>)
    %add3A_231 = arith.constant 1 : i32
    %add3A_232 = arith.addi %add3A_136, %add3A_231 : i32
    %dma_start3A_233 = arith.constant 6144 : i32
    %dma_start3A_234 = tpu.memref_slice %arg9[%dma_start3A_233] : memref<8192xf32, #tpu.memory_space<vmem>> -> memref<2048xf32, #tpu.memory_space<vmem>>
    %dma_start3A_235 = arith.constant 0 : i32
    %dma_start3A_236 = tpu.memref_slice %arg4[%add3A_232, %dma_start3A_235] : memref<64x100000xf32, #tpu.memory_space<hbm>> -> memref<1x2048xf32, #tpu.memory_space<hbm>>
    %dma_start3A_237 = tpu.memref_squeeze %dma_start3A_236 : memref<1x2048xf32, #tpu.memory_space<hbm>> -> memref<2048xf32, #tpu.memory_space<hbm>>
    %dma_start3A_238 = arith.constant 6144 : i32
    %dma_start3A_239 = tpu.memref_slice %arg9[%dma_start3A_238] : memref<8192xf32, #tpu.memory_space<vmem>> -> memref<2048xf32, #tpu.memory_space<vmem>>
    %dma_start3A_240 = arith.constant 0 : i32
    %dma_start3A_241 = tpu.memref_slice %arg4[%add3A_232, %dma_start3A_240] : memref<64x100000xf32, #tpu.memory_space<hbm>> -> memref<1x2048xf32, #tpu.memory_space<hbm>>
    %dma_start3A_242 = tpu.memref_squeeze %dma_start3A_241 : memref<1x2048xf32, #tpu.memory_space<hbm>> -> memref<2048xf32, #tpu.memory_space<hbm>>
    tpu.enqueue_dma source(%dma_start3A_242 : memref<2048xf32, #tpu.memory_space<hbm>>) target(%dma_start3A_239 : memref<2048xf32, #tpu.memory_space<vmem>>) target_semaphore(%arg12 : memref<!tpu.dma_semaphore, #tpu.memory_space<semaphore_mem>>)
    %dma_start3A_243 = arith.constant 0 : i32
    %dma_start3A_244 = arith.constant 0 : i32
    %dma_start3A_245 = tpu.memref_slice %arg8[%dma_start3A_244] : memref<8192xf32, #tpu.memory_space<vmem>> -> memref<2048xf32, #tpu.memory_space<vmem>>
    %dma_start3A_246 = arith.constant 0 : i32
    %dma_start3A_247 = tpu.memref_slice %arg5[%dma_start3A_243, %add3A_136, %dma_start3A_246] : memref<4x64x2048xf32, #tpu.memory_space<hbm>> -> memref<1x1x2048xf32, #tpu.memory_space<hbm>>
    %dma_start3A_248 = tpu.memref_squeeze %dma_start3A_247 : memref<1x1x2048xf32, #tpu.memory_space<hbm>> -> memref<2048xf32, #tpu.memory_space<hbm>>
    %dma_start3A_249 = arith.constant 0 : i32
    %dma_start3A_250 = tpu.memref_slice %arg5[%dma_start3A_243, %add3A_136, %dma_start3A_249] : memref<4x64x2048xf32, #tpu.memory_space<hbm>> -> memref<1x1x2048xf32, #tpu.memory_space<hbm>>
    %dma_start3A_251 = tpu.memref_squeeze %dma_start3A_250 : memref<1x1x2048xf32, #tpu.memory_space<hbm>> -> memref<2048xf32, #tpu.memory_space<hbm>>
    %dma_start3A_252 = arith.constant 0 : i32
    %dma_start3A_253 = tpu.memref_slice %arg8[%dma_start3A_252] : memref<8192xf32, #tpu.memory_space<vmem>> -> memref<2048xf32, #tpu.memory_space<vmem>>
    tpu.enqueue_dma source(%dma_start3A_253 : memref<2048xf32, #tpu.memory_space<vmem>>) target(%dma_start3A_251 : memref<2048xf32, #tpu.memory_space<hbm>>) target_semaphore(%arg13 : memref<!tpu.dma_semaphore, #tpu.memory_space<semaphore_mem>>)
    %dma_start3A_254 = arith.constant 1 : i32
    %dma_start3A_255 = arith.constant 2048 : i32
    %dma_start3A_256 = tpu.memref_slice %arg8[%dma_start3A_255] : memref<8192xf32, #tpu.memory_space<vmem>> -> memref<2048xf32, #tpu.memory_space<vmem>>
    %dma_start3A_257 = arith.constant 0 : i32
    %dma_start3A_258 = tpu.memref_slice %arg5[%dma_start3A_254, %add3A_136, %dma_start3A_257] : memref<4x64x2048xf32, #tpu.memory_space<hbm>> -> memref<1x1x2048xf32, #tpu.memory_space<hbm>>
    %dma_start3A_259 = tpu.memref_squeeze %dma_start3A_258 : memref<1x1x2048xf32, #tpu.memory_space<hbm>> -> memref<2048xf32, #tpu.memory_space<hbm>>
    %dma_start3A_260 = arith.constant 0 : i32
    %dma_start3A_261 = tpu.memref_slice %arg5[%dma_start3A_254, %add3A_136, %dma_start3A_260] : memref<4x64x2048xf32, #tpu.memory_space<hbm>> -> memref<1x1x2048xf32, #tpu.memory_space<hbm>>
    %dma_start3A_262 = tpu.memref_squeeze %dma_start3A_261 : memref<1x1x2048xf32, #tpu.memory_space<hbm>> -> memref<2048xf32, #tpu.memory_space<hbm>>
    %dma_start3A_263 = arith.constant 2048 : i32
    %dma_start3A_264 = tpu.memref_slice %arg8[%dma_start3A_263] : memref<8192xf32, #tpu.memory_space<vmem>> -> memref<2048xf32, #tpu.memory_space<vmem>>
    tpu.enqueue_dma source(%dma_start3A_264 : memref<2048xf32, #tpu.memory_space<vmem>>) target(%dma_start3A_262 : memref<2048xf32, #tpu.memory_space<hbm>>) target_semaphore(%arg13 : memref<!tpu.dma_semaphore, #tpu.memory_space<semaphore_mem>>)
    %dma_start3A_265 = arith.constant 2 : i32
    %dma_start3A_266 = arith.constant 4096 : i32
    %dma_start3A_267 = tpu.memref_slice %arg8[%dma_start3A_266] : memref<8192xf32, #tpu.memory_space<vmem>> -> memref<2048xf32, #tpu.memory_space<vmem>>
    %dma_start3A_268 = arith.constant 0 : i32
    %dma_start3A_269 = tpu.memref_slice %arg5[%dma_start3A_265, %add3A_136, %dma_start3A_268] : memref<4x64x2048xf32, #tpu.memory_space<hbm>> -> memref<1x1x2048xf32, #tpu.memory_space<hbm>>
    %dma_start3A_270 = tpu.memref_squeeze %dma_start3A_269 : memref<1x1x2048xf32, #tpu.memory_space<hbm>> -> memref<2048xf32, #tpu.memory_space<hbm>>
    %dma_start3A_271 = arith.constant 0 : i32
    %dma_start3A_272 = tpu.memref_slice %arg5[%dma_start3A_265, %add3A_136, %dma_start3A_271] : memref<4x64x2048xf32, #tpu.memory_space<hbm>> -> memref<1x1x2048xf32, #tpu.memory_space<hbm>>
    %dma_start3A_273 = tpu.memref_squeeze %dma_start3A_272 : memref<1x1x2048xf32, #tpu.memory_space<hbm>> -> memref<2048xf32, #tpu.memory_space<hbm>>
    %dma_start3A_274 = arith.constant 4096 : i32
    %dma_start3A_275 = tpu.memref_slice %arg8[%dma_start3A_274] : memref<8192xf32, #tpu.memory_space<vmem>> -> memref<2048xf32, #tpu.memory_space<vmem>>
    tpu.enqueue_dma source(%dma_start3A_275 : memref<2048xf32, #tpu.memory_space<vmem>>) target(%dma_start3A_273 : memref<2048xf32, #tpu.memory_space<hbm>>) target_semaphore(%arg13 : memref<!tpu.dma_semaphore, #tpu.memory_space<semaphore_mem>>)
    %dma_start3A_276 = arith.constant 3 : i32
    %dma_start3A_277 = arith.constant 6144 : i32
    %dma_start3A_278 = tpu.memref_slice %arg8[%dma_start3A_277] : memref<8192xf32, #tpu.memory_space<vmem>> -> memref<2048xf32, #tpu.memory_space<vmem>>
    %dma_start3A_279 = arith.constant 0 : i32
    %dma_start3A_280 = tpu.memref_slice %arg5[%dma_start3A_276, %add3A_136, %dma_start3A_279] : memref<4x64x2048xf32, #tpu.memory_space<hbm>> -> memref<1x1x2048xf32, #tpu.memory_space<hbm>>
    %dma_start3A_281 = tpu.memref_squeeze %dma_start3A_280 : memref<1x1x2048xf32, #tpu.memory_space<hbm>> -> memref<2048xf32, #tpu.memory_space<hbm>>
    %dma_start3A_282 = arith.constant 0 : i32
    %dma_start3A_283 = tpu.memref_slice %arg5[%dma_start3A_276, %add3A_136, %dma_start3A_282] : memref<4x64x2048xf32, #tpu.memory_space<hbm>> -> memref<1x1x2048xf32, #tpu.memory_space<hbm>>
    %dma_start3A_284 = tpu.memref_squeeze %dma_start3A_283 : memref<1x1x2048xf32, #tpu.memory_space<hbm>> -> memref<2048xf32, #tpu.memory_space<hbm>>
    %dma_start3A_285 = arith.constant 6144 : i32
    %dma_start3A_286 = tpu.memref_slice %arg8[%dma_start3A_285] : memref<8192xf32, #tpu.memory_space<vmem>> -> memref<2048xf32, #tpu.memory_space<vmem>>
    tpu.enqueue_dma source(%dma_start3A_286 : memref<2048xf32, #tpu.memory_space<vmem>>) target(%dma_start3A_284 : memref<2048xf32, #tpu.memory_space<hbm>>) target_semaphore(%arg13 : memref<!tpu.dma_semaphore, #tpu.memory_space<semaphore_mem>>)
    %add3A_287 = arith.constant 1 : i32
    %add3A_288 = arith.addi %mul3A_2, %add3A_287 : i32
    %dma_wait3A_289 = arith.constant 0 : i32
    %dma_wait3A_290 = tpu.memref_slice %arg9[%dma_wait3A_289] : memref<8192xf32, #tpu.memory_space<vmem>> -> memref<2048xf32, #tpu.memory_space<vmem>>
    %dma_wait3A_291 = arith.constant 0 : i32
    %dma_wait3A_292 = tpu.memref_slice %arg4[%add3A_196, %dma_wait3A_291] : memref<64x100000xf32, #tpu.memory_space<hbm>> -> memref<1x2048xf32, #tpu.memory_space<hbm>>
    %dma_wait3A_293 = tpu.memref_squeeze %dma_wait3A_292 : memref<1x2048xf32, #tpu.memory_space<hbm>> -> memref<2048xf32, #tpu.memory_space<hbm>>
    %dma_wait3A_294 = arith.constant 0 : i32
    %dma_wait3A_295 = tpu.memref_slice %arg9[%dma_wait3A_294] : memref<8192xf32, #tpu.memory_space<vmem>> -> memref<2048xf32, #tpu.memory_space<vmem>>
    %dma_wait3A_296 = arith.constant 0 : i32
    %dma_wait3A_297 = tpu.memref_slice %arg4[%add3A_196, %dma_wait3A_296] : memref<64x100000xf32, #tpu.memory_space<hbm>> -> memref<1x2048xf32, #tpu.memory_space<hbm>>
    %dma_wait3A_298 = tpu.memref_squeeze %dma_wait3A_297 : memref<1x2048xf32, #tpu.memory_space<hbm>> -> memref<2048xf32, #tpu.memory_space<hbm>>
    tpu.wait_dma2 semaphore(%arg12 : memref<!tpu.dma_semaphore, #tpu.memory_space<semaphore_mem>>) src(%dma_wait3A_298 : memref<2048xf32, #tpu.memory_space<hbm>>) dst(%dma_wait3A_295 : memref<2048xf32, #tpu.memory_space<vmem>>)
    %dma_wait3A_299 = arith.constant 2048 : i32
    %dma_wait3A_300 = tpu.memref_slice %arg9[%dma_wait3A_299] : memref<8192xf32, #tpu.memory_space<vmem>> -> memref<2048xf32, #tpu.memory_space<vmem>>
    %dma_wait3A_301 = arith.constant 0 : i32
    %dma_wait3A_302 = tpu.memref_slice %arg4[%add3A_208, %dma_wait3A_301] : memref<64x100000xf32, #tpu.memory_space<hbm>> -> memref<1x2048xf32, #tpu.memory_space<hbm>>
    %dma_wait3A_303 = tpu.memref_squeeze %dma_wait3A_302 : memref<1x2048xf32, #tpu.memory_space<hbm>> -> memref<2048xf32, #tpu.memory_space<hbm>>
    %dma_wait3A_304 = arith.constant 2048 : i32
    %dma_wait3A_305 = tpu.memref_slice %arg9[%dma_wait3A_304] : memref<8192xf32, #tpu.memory_space<vmem>> -> memref<2048xf32, #tpu.memory_space<vmem>>
    %dma_wait3A_306 = arith.constant 0 : i32
    %dma_wait3A_307 = tpu.memref_slice %arg4[%add3A_208, %dma_wait3A_306] : memref<64x100000xf32, #tpu.memory_space<hbm>> -> memref<1x2048xf32, #tpu.memory_space<hbm>>
    %dma_wait3A_308 = tpu.memref_squeeze %dma_wait3A_307 : memref<1x2048xf32, #tpu.memory_space<hbm>> -> memref<2048xf32, #tpu.memory_space<hbm>>
    tpu.wait_dma2 semaphore(%arg12 : memref<!tpu.dma_semaphore, #tpu.memory_space<semaphore_mem>>) src(%dma_wait3A_308 : memref<2048xf32, #tpu.memory_space<hbm>>) dst(%dma_wait3A_305 : memref<2048xf32, #tpu.memory_space<vmem>>)
    %dma_wait3A_309 = arith.constant 4096 : i32
    %dma_wait3A_310 = tpu.memref_slice %arg9[%dma_wait3A_309] : memref<8192xf32, #tpu.memory_space<vmem>> -> memref<2048xf32, #tpu.memory_space<vmem>>
    %dma_wait3A_311 = arith.constant 0 : i32
    %dma_wait3A_312 = tpu.memref_slice %arg4[%add3A_220, %dma_wait3A_311] : memref<64x100000xf32, #tpu.memory_space<hbm>> -> memref<1x2048xf32, #tpu.memory_space<hbm>>
    %dma_wait3A_313 = tpu.memref_squeeze %dma_wait3A_312 : memref<1x2048xf32, #tpu.memory_space<hbm>> -> memref<2048xf32, #tpu.memory_space<hbm>>
    %dma_wait3A_314 = arith.constant 4096 : i32
    %dma_wait3A_315 = tpu.memref_slice %arg9[%dma_wait3A_314] : memref<8192xf32, #tpu.memory_space<vmem>> -> memref<2048xf32, #tpu.memory_space<vmem>>
    %dma_wait3A_316 = arith.constant 0 : i32
    %dma_wait3A_317 = tpu.memref_slice %arg4[%add3A_220, %dma_wait3A_316] : memref<64x100000xf32, #tpu.memory_space<hbm>> -> memref<1x2048xf32, #tpu.memory_space<hbm>>
    %dma_wait3A_318 = tpu.memref_squeeze %dma_wait3A_317 : memref<1x2048xf32, #tpu.memory_space<hbm>> -> memref<2048xf32, #tpu.memory_space<hbm>>
    tpu.wait_dma2 semaphore(%arg12 : memref<!tpu.dma_semaphore, #tpu.memory_space<semaphore_mem>>) src(%dma_wait3A_318 : memref<2048xf32, #tpu.memory_space<hbm>>) dst(%dma_wait3A_315 : memref<2048xf32, #tpu.memory_space<vmem>>)
    %dma_wait3A_319 = arith.constant 6144 : i32
    %dma_wait3A_320 = tpu.memref_slice %arg9[%dma_wait3A_319] : memref<8192xf32, #tpu.memory_space<vmem>> -> memref<2048xf32, #tpu.memory_space<vmem>>
    %dma_wait3A_321 = arith.constant 0 : i32
    %dma_wait3A_322 = tpu.memref_slice %arg4[%add3A_232, %dma_wait3A_321] : memref<64x100000xf32, #tpu.memory_space<hbm>> -> memref<1x2048xf32, #tpu.memory_space<hbm>>
    %dma_wait3A_323 = tpu.memref_squeeze %dma_wait3A_322 : memref<1x2048xf32, #tpu.memory_space<hbm>> -> memref<2048xf32, #tpu.memory_space<hbm>>
    %dma_wait3A_324 = arith.constant 6144 : i32
    %dma_wait3A_325 = tpu.memref_slice %arg9[%dma_wait3A_324] : memref<8192xf32, #tpu.memory_space<vmem>> -> memref<2048xf32, #tpu.memory_space<vmem>>
    %dma_wait3A_326 = arith.constant 0 : i32
    %dma_wait3A_327 = tpu.memref_slice %arg4[%add3A_232, %dma_wait3A_326] : memref<64x100000xf32, #tpu.memory_space<hbm>> -> memref<1x2048xf32, #tpu.memory_space<hbm>>
    %dma_wait3A_328 = tpu.memref_squeeze %dma_wait3A_327 : memref<1x2048xf32, #tpu.memory_space<hbm>> -> memref<2048xf32, #tpu.memory_space<hbm>>
    tpu.wait_dma2 semaphore(%arg12 : memref<!tpu.dma_semaphore, #tpu.memory_space<semaphore_mem>>) src(%dma_wait3A_328 : memref<2048xf32, #tpu.memory_space<hbm>>) dst(%dma_wait3A_325 : memref<2048xf32, #tpu.memory_space<vmem>>)
    %dma_wait3A_329 = arith.constant 0 : i32
    %dma_wait3A_330 = tpu.memref_slice %arg3[%add3A_188, %dma_wait3A_329] : memref<64x100000xf32, #tpu.memory_space<hbm>> -> memref<1x100000xf32, #tpu.memory_space<hbm>>
    %dma_wait3A_331 = tpu.memref_squeeze %dma_wait3A_330 : memref<1x100000xf32, #tpu.memory_space<hbm>> -> memref<100000xf32, #tpu.memory_space<hbm>>
    %dma_wait3A_332 = arith.constant 0 : i32
    %dma_wait3A_333 = tpu.memref_slice %arg3[%add3A_188, %dma_wait3A_332] : memref<64x100000xf32, #tpu.memory_space<hbm>> -> memref<1x100000xf32, #tpu.memory_space<hbm>>
    %dma_wait3A_334 = tpu.memref_squeeze %dma_wait3A_333 : memref<1x100000xf32, #tpu.memory_space<hbm>> -> memref<100000xf32, #tpu.memory_space<hbm>>
    tpu.wait_dma2 semaphore(%arg11 : memref<!tpu.dma_semaphore, #tpu.memory_space<semaphore_mem>>) src(%dma_wait3A_334 : memref<100000xf32, #tpu.memory_space<hbm>>) dst(%arg7 : memref<100000xf32, #tpu.memory_space<vmem>>)
    %scan3A_335 = arith.constant 0 : i32
    %scan3A_336 = arith.constant 64 : i32
    %scan3A_337 = arith.addi %scan3A_335, %scan3A_336 : i32
    %scan3A_338 = arith.constant 2 : i32
    scf.for %scan3A_472 = %scan3A_335 to %scan3A_337 step %scan3A_338  : i32 {
      %add3A_473 = arith.constant 0 : i32
      %add3A_474 = arith.addi %scan3A_472, %add3A_473 : i32
      %mul3A_475 = arith.constant 16 : i32
      %mul3A_476 = arith.muli %add3A_474, %mul3A_475 : i32
      %get3A = arith.index_cast %mul3A_476 : i32 to index
      %get3A_477 = tpu.vector_load %arg6[%get3A] {strides = array<i32>} : memref<8192xi32, #tpu.memory_space<vmem>>, vector<16xi32>,
      %gather3A = tpu.vector_load_idx %arg7[%get3A_477] : memref<100000xf32, #tpu.memory_space<vmem>>[vector<16xi32>], vector<16xf32>,
      %add3A_478 = arith.constant 64 : i32
      %add3A_479 = arith.addi %scan3A_472, %add3A_478 : i32
      %mul3A_480 = arith.constant 16 : i32
      %mul3A_481 = arith.muli %add3A_479, %mul3A_480 : i32
      %get3A_482 = arith.index_cast %mul3A_481 : i32 to index
      %get3A_483 = tpu.vector_load %arg6[%get3A_482] {strides = array<i32>} : memref<8192xi32, #tpu.memory_space<vmem>>, vector<16xi32>,
      %gather3A_484 = tpu.vector_load_idx %arg7[%get3A_483] : memref<100000xf32, #tpu.memory_space<vmem>>[vector<16xi32>], vector<16xf32>,
      %add3A_485 = arith.constant 128 : i32
      %add3A_486 = arith.addi %scan3A_472, %add3A_485 : i32
      %mul3A_487 = arith.constant 16 : i32
      %mul3A_488 = arith.muli %add3A_486, %mul3A_487 : i32
      %get3A_489 = arith.index_cast %mul3A_488 : i32 to index
      %get3A_490 = tpu.vector_load %arg6[%get3A_489] {strides = array<i32>} : memref<8192xi32, #tpu.memory_space<vmem>>, vector<16xi32>,
      %gather3A_491 = tpu.vector_load_idx %arg7[%get3A_490] : memref<100000xf32, #tpu.memory_space<vmem>>[vector<16xi32>], vector<16xf32>,
      %add3A_492 = arith.constant 192 : i32
      %add3A_493 = arith.addi %scan3A_472, %add3A_492 : i32
      %mul3A_494 = arith.constant 16 : i32
      %mul3A_495 = arith.muli %add3A_493, %mul3A_494 : i32
      %get3A_496 = arith.index_cast %mul3A_495 : i32 to index
      %get3A_497 = tpu.vector_load %arg6[%get3A_496] {strides = array<i32>} : memref<8192xi32, #tpu.memory_space<vmem>>, vector<16xi32>,
      %gather3A_498 = tpu.vector_load_idx %arg7[%get3A_497] : memref<100000xf32, #tpu.memory_space<vmem>>[vector<16xi32>], vector<16xf32>,
      %add3A_499 = arith.constant 256 : i32
      %add3A_500 = arith.addi %scan3A_472, %add3A_499 : i32
      %mul3A_501 = arith.constant 16 : i32
      %mul3A_502 = arith.muli %add3A_500, %mul3A_501 : i32
      %get3A_503 = arith.index_cast %mul3A_502 : i32 to index
      %get3A_504 = tpu.vector_load %arg6[%get3A_503] {strides = array<i32>} : memref<8192xi32, #tpu.memory_space<vmem>>, vector<16xi32>,
      %gather3A_505 = tpu.vector_load_idx %arg7[%get3A_504] : memref<100000xf32, #tpu.memory_space<vmem>>[vector<16xi32>], vector<16xf32>,
      %add3A_506 = arith.constant 320 : i32
      %add3A_507 = arith.addi %scan3A_472, %add3A_506 : i32
      %mul3A_508 = arith.constant 16 : i32
      %mul3A_509 = arith.muli %add3A_507, %mul3A_508 : i32
      %get3A_510 = arith.index_cast %mul3A_509 : i32 to index
      %get3A_511 = tpu.vector_load %arg6[%get3A_510] {strides = array<i32>} : memref<8192xi32, #tpu.memory_space<vmem>>, vector<16xi32>,
      %gather3A_512 = tpu.vector_load_idx %arg7[%get3A_511] : memref<100000xf32, #tpu.memory_space<vmem>>[vector<16xi32>], vector<16xf32>,
      %add3A_513 = arith.constant 384 : i32
      %add3A_514 = arith.addi %scan3A_472, %add3A_513 : i32
      %mul3A_515 = arith.constant 16 : i32
      %mul3A_516 = arith.muli %add3A_514, %mul3A_515 : i32
      %get3A_517 = arith.index_cast %mul3A_516 : i32 to index
      %get3A_518 = tpu.vector_load %arg6[%get3A_517] {strides = array<i32>} : memref<8192xi32, #tpu.memory_space<vmem>>, vector<16xi32>,
      %gather3A_519 = tpu.vector_load_idx %arg7[%get3A_518] : memref<100000xf32, #tpu.memory_space<vmem>>[vector<16xi32>], vector<16xf32>,
      %add3A_520 = arith.constant 448 : i32
      %add3A_521 = arith.addi %scan3A_472, %add3A_520 : i32
      %mul3A_522 = arith.constant 16 : i32
      %mul3A_523 = arith.muli %add3A_521, %mul3A_522 : i32
      %get3A_524 = arith.index_cast %mul3A_523 : i32 to index
      %get3A_525 = tpu.vector_load %arg6[%get3A_524] {strides = array<i32>} : memref<8192xi32, #tpu.memory_space<vmem>>, vector<16xi32>,
      %gather3A_526 = tpu.vector_load_idx %arg7[%get3A_525] : memref<100000xf32, #tpu.memory_space<vmem>>[vector<16xi32>], vector<16xf32>,
      %mul3A_527 = arith.constant 8.000000e+00 : f32
      %mul3A_528 = vector.broadcast %mul3A_527 : f32 to vector<16xf32>
      %mul3A_529 = arith.mulf %gather3A, %mul3A_528 : vector<16xf32>
      %swap3A = arith.index_cast %mul3A_476 : i32 to index
      %swap3A_530 = tpu.vector_load %arg9[%swap3A] {strides = array<i32>} : memref<8192xf32, #tpu.memory_space<vmem>>, vector<16xf32>,
      tpu.vector_store %arg9[%swap3A], %mul3A_529 {add = true, strides = array<i32>} : memref<8192xf32, #tpu.memory_space<vmem>>, vector<16xf32>,
      %mul3A_531 = arith.constant 8.000000e+00 : f32
      %mul3A_532 = vector.broadcast %mul3A_531 : f32 to vector<16xf32>
      %mul3A_533 = arith.mulf %gather3A_484, %mul3A_532 : vector<16xf32>
      %swap3A_534 = arith.index_cast %mul3A_481 : i32 to index
      %swap3A_535 = tpu.vector_load %arg9[%swap3A_534] {strides = array<i32>} : memref<8192xf32, #tpu.memory_space<vmem>>, vector<16xf32>,
      tpu.vector_store %arg9[%swap3A_534], %mul3A_533 {add = true, strides = array<i32>} : memref<8192xf32, #tpu.memory_space<vmem>>, vector<16xf32>,
      %mul3A_536 = arith.constant 8.000000e+00 : f32
      %mul3A_537 = vector.broadcast %mul3A_536 : f32 to vector<16xf32>
      %mul3A_538 = arith.mulf %gather3A_491, %mul3A_537 : vector<16xf32>
      %swap3A_539 = arith.index_cast %mul3A_488 : i32 to index
      %swap3A_540 = tpu.vector_load %arg9[%swap3A_539] {strides = array<i32>} : memref<8192xf32, #tpu.memory_space<vmem>>, vector<16xf32>,
      tpu.vector_store %arg9[%swap3A_539], %mul3A_538 {add = true, strides = array<i32>} : memref<8192xf32, #tpu.memory_space<vmem>>, vector<16xf32>,
      %mul3A_541 = arith.constant 8.000000e+00 : f32
      %mul3A_542 = vector.broadcast %mul3A_541 : f32 to vector<16xf32>
      %mul3A_543 = arith.mulf %gather3A_498, %mul3A_542 : vector<16xf32>
      %swap3A_544 = arith.index_cast %mul3A_495 : i32 to index
      %swap3A_545 = tpu.vector_load %arg9[%swap3A_544] {strides = array<i32>} : memref<8192xf32, #tpu.memory_space<vmem>>, vector<16xf32>,
      tpu.vector_store %arg9[%swap3A_544], %mul3A_543 {add = true, strides = array<i32>} : memref<8192xf32, #tpu.memory_space<vmem>>, vector<16xf32>,
      %mul3A_546 = arith.constant 8.000000e+00 : f32
      %mul3A_547 = vector.broadcast %mul3A_546 : f32 to vector<16xf32>
      %mul3A_548 = arith.mulf %gather3A_505, %mul3A_547 : vector<16xf32>
      %swap3A_549 = arith.index_cast %mul3A_502 : i32 to index
      %swap3A_550 = tpu.vector_load %arg9[%swap3A_549] {strides = array<i32>} : memref<8192xf32, #tpu.memory_space<vmem>>, vector<16xf32>,
      tpu.vector_store %arg9[%swap3A_549], %mul3A_548 {add = true, strides = array<i32>} : memref<8192xf32, #tpu.memory_space<vmem>>, vector<16xf32>,
      %mul3A_551 = arith.constant 8.000000e+00 : f32
      %mul3A_552 = vector.broadcast %mul3A_551 : f32 to vector<16xf32>
      %mul3A_553 = arith.mulf %gather3A_512, %mul3A_552 : vector<16xf32>
      %swap3A_554 = arith.index_cast %mul3A_509 : i32 to index
      %swap3A_555 = tpu.vector_load %arg9[%swap3A_554] {strides = array<i32>} : memref<8192xf32, #tpu.memory_space<vmem>>, vector<16xf32>,
      tpu.vector_store %arg9[%swap3A_554], %mul3A_553 {add = true, strides = array<i32>} : memref<8192xf32, #tpu.memory_space<vmem>>, vector<16xf32>,
      %mul3A_556 = arith.constant 8.000000e+00 : f32
      %mul3A_557 = vector.broadcast %mul3A_556 : f32 to vector<16xf32>
      %mul3A_558 = arith.mulf %gather3A_519, %mul3A_557 : vector<16xf32>
      %swap3A_559 = arith.index_cast %mul3A_516 : i32 to index
      %swap3A_560 = tpu.vector_load %arg9[%swap3A_559] {strides = array<i32>} : memref<8192xf32, #tpu.memory_space<vmem>>, vector<16xf32>,
      tpu.vector_store %arg9[%swap3A_559], %mul3A_558 {add = true, strides = array<i32>} : memref<8192xf32, #tpu.memory_space<vmem>>, vector<16xf32>,
      %mul3A_561 = arith.constant 8.000000e+00 : f32
      %mul3A_562 = vector.broadcast %mul3A_561 : f32 to vector<16xf32>
      %mul3A_563 = arith.mulf %gather3A_526, %mul3A_562 : vector<16xf32>
      %swap3A_564 = arith.index_cast %mul3A_523 : i32 to index
      %swap3A_565 = tpu.vector_load %arg9[%swap3A_564] {strides = array<i32>} : memref<8192xf32, #tpu.memory_space<vmem>>, vector<16xf32>,
      tpu.vector_store %arg9[%swap3A_564], %mul3A_563 {add = true, strides = array<i32>} : memref<8192xf32, #tpu.memory_space<vmem>>, vector<16xf32>,
      %scan3A_566 = arith.constant 1 : i32
      %scan3A_567 = arith.addi %scan3A_472, %scan3A_566 : i32
      %add3A_568 = arith.constant 0 : i32
      %add3A_569 = arith.addi %scan3A_567, %add3A_568 : i32
      %mul3A_570 = arith.constant 16 : i32
      %mul3A_571 = arith.muli %add3A_569, %mul3A_570 : i32
      %get3A_572 = arith.index_cast %mul3A_571 : i32 to index
      %get3A_573 = tpu.vector_load %arg6[%get3A_572] {strides = array<i32>} : memref<8192xi32, #tpu.memory_space<vmem>>, vector<16xi32>,
      %gather3A_574 = tpu.vector_load_idx %arg7[%get3A_573] : memref<100000xf32, #tpu.memory_space<vmem>>[vector<16xi32>], vector<16xf32>,
      %add3A_575 = arith.constant 64 : i32
      %add3A_576 = arith.addi %scan3A_567, %add3A_575 : i32
      %mul3A_577 = arith.constant 16 : i32
      %mul3A_578 = arith.muli %add3A_576, %mul3A_577 : i32
      %get3A_579 = arith.index_cast %mul3A_578 : i32 to index
      %get3A_580 = tpu.vector_load %arg6[%get3A_579] {strides = array<i32>} : memref<8192xi32, #tpu.memory_space<vmem>>, vector<16xi32>,
      %gather3A_581 = tpu.vector_load_idx %arg7[%get3A_580] : memref<100000xf32, #tpu.memory_space<vmem>>[vector<16xi32>], vector<16xf32>,
      %add3A_582 = arith.constant 128 : i32
      %add3A_583 = arith.addi %scan3A_567, %add3A_582 : i32
      %mul3A_584 = arith.constant 16 : i32
      %mul3A_585 = arith.muli %add3A_583, %mul3A_584 : i32
      %get3A_586 = arith.index_cast %mul3A_585 : i32 to index
      %get3A_587 = tpu.vector_load %arg6[%get3A_586] {strides = array<i32>} : memref<8192xi32, #tpu.memory_space<vmem>>, vector<16xi32>,
      %gather3A_588 = tpu.vector_load_idx %arg7[%get3A_587] : memref<100000xf32, #tpu.memory_space<vmem>>[vector<16xi32>], vector<16xf32>,
      %add3A_589 = arith.constant 192 : i32
      %add3A_590 = arith.addi %scan3A_567, %add3A_589 : i32
      %mul3A_591 = arith.constant 16 : i32
      %mul3A_592 = arith.muli %add3A_590, %mul3A_591 : i32
      %get3A_593 = arith.index_cast %mul3A_592 : i32 to index
      %get3A_594 = tpu.vector_load %arg6[%get3A_593] {strides = array<i32>} : memref<8192xi32, #tpu.memory_space<vmem>>, vector<16xi32>,
      %gather3A_595 = tpu.vector_load_idx %arg7[%get3A_594] : memref<100000xf32, #tpu.memory_space<vmem>>[vector<16xi32>], vector<16xf32>,
      %add3A_596 = arith.constant 256 : i32
      %add3A_597 = arith.addi %scan3A_567, %add3A_596 : i32
      %mul3A_598 = arith.constant 16 : i32
      %mul3A_599 = arith.muli %add3A_597, %mul3A_598 : i32
      %get3A_600 = arith.index_cast %mul3A_599 : i32 to index
      %get3A_601 = tpu.vector_load %arg6[%get3A_600] {strides = array<i32>} : memref<8192xi32, #tpu.memory_space<vmem>>, vector<16xi32>,
      %gather3A_602 = tpu.vector_load_idx %arg7[%get3A_601] : memref<100000xf32, #tpu.memory_space<vmem>>[vector<16xi32>], vector<16xf32>,
      %add3A_603 = arith.constant 320 : i32
      %add3A_604 = arith.addi %scan3A_567, %add3A_603 : i32
      %mul3A_605 = arith.constant 16 : i32
      %mul3A_606 = arith.muli %add3A_604, %mul3A_605 : i32
      %get3A_607 = arith.index_cast %mul3A_606 : i32 to index
      %get3A_608 = tpu.vector_load %arg6[%get3A_607] {strides = array<i32>} : memref<8192xi32, #tpu.memory_space<vmem>>, vector<16xi32>,
      %gather3A_609 = tpu.vector_load_idx %arg7[%get3A_608] : memref<100000xf32, #tpu.memory_space<vmem>>[vector<16xi32>], vector<16xf32>,
      %add3A_610 = arith.constant 384 : i32
      %add3A_611 = arith.addi %scan3A_567, %add3A_610 : i32
      %mul3A_612 = arith.constant 16 : i32
      %mul3A_613 = arith.muli %add3A_611, %mul3A_612 : i32
      %get3A_614 = arith.index_cast %mul3A_613 : i32 to index
      %get3A_615 = tpu.vector_load %arg6[%get3A_614] {strides = array<i32>} : memref<8192xi32, #tpu.memory_space<vmem>>, vector<16xi32>,
      %gather3A_616 = tpu.vector_load_idx %arg7[%get3A_615] : memref<100000xf32, #tpu.memory_space<vmem>>[vector<16xi32>], vector<16xf32>,
      %add3A_617 = arith.constant 448 : i32
      %add3A_618 = arith.addi %scan3A_567, %add3A_617 : i32
      %mul3A_619 = arith.constant 16 : i32
      %mul3A_620 = arith.muli %add3A_618, %mul3A_619 : i32
      %get3A_621 = arith.index_cast %mul3A_620 : i32 to index
      %get3A_622 = tpu.vector_load %arg6[%get3A_621] {strides = array<i32>} : memref<8192xi32, #tpu.memory_space<vmem>>, vector<16xi32>,
      %gather3A_623 = tpu.vector_load_idx %arg7[%get3A_622] : memref<100000xf32, #tpu.memory_space<vmem>>[vector<16xi32>], vector<16xf32>,
      %mul3A_624 = arith.constant 8.000000e+00 : f32
      %mul3A_625 = vector.broadcast %mul3A_624 : f32 to vector<16xf32>
      %mul3A_626 = arith.mulf %gather3A_574, %mul3A_625 : vector<16xf32>
      %swap3A_627 = arith.index_cast %mul3A_571 : i32 to index
      %swap3A_628 = tpu.vector_load %arg9[%swap3A_627] {strides = array<i32>} : memref<8192xf32, #tpu.memory_space<vmem>>, vector<16xf32>,
      tpu.vector_store %arg9[%swap3A_627], %mul3A_626 {add = true, strides = array<i32>} : memref<8192xf32, #tpu.memory_space<vmem>>, vector<16xf32>,
      %mul3A_629 = arith.constant 8.000000e+00 : f32
      %mul3A_630 = vector.broadcast %mul3A_629 : f32 to vector<16xf32>
      %mul3A_631 = arith.mulf %gather3A_581, %mul3A_630 : vector<16xf32>
      %swap3A_632 = arith.index_cast %mul3A_578 : i32 to index
      %swap3A_633 = tpu.vector_load %arg9[%swap3A_632] {strides = array<i32>} : memref<8192xf32, #tpu.memory_space<vmem>>, vector<16xf32>,
      tpu.vector_store %arg9[%swap3A_632], %mul3A_631 {add = true, strides = array<i32>} : memref<8192xf32, #tpu.memory_space<vmem>>, vector<16xf32>,
      %mul3A_634 = arith.constant 8.000000e+00 : f32
      %mul3A_635 = vector.broadcast %mul3A_634 : f32 to vector<16xf32>
      %mul3A_636 = arith.mulf %gather3A_588, %mul3A_635 : vector<16xf32>
      %swap3A_637 = arith.index_cast %mul3A_585 : i32 to index
      %swap3A_638 = tpu.vector_load %arg9[%swap3A_637] {strides = array<i32>} : memref<8192xf32, #tpu.memory_space<vmem>>, vector<16xf32>,
      tpu.vector_store %arg9[%swap3A_637], %mul3A_636 {add = true, strides = array<i32>} : memref<8192xf32, #tpu.memory_space<vmem>>, vector<16xf32>,
      %mul3A_639 = arith.constant 8.000000e+00 : f32
      %mul3A_640 = vector.broadcast %mul3A_639 : f32 to vector<16xf32>
      %mul3A_641 = arith.mulf %gather3A_595, %mul3A_640 : vector<16xf32>
      %swap3A_642 = arith.index_cast %mul3A_592 : i32 to index
      %swap3A_643 = tpu.vector_load %arg9[%swap3A_642] {strides = array<i32>} : memref<8192xf32, #tpu.memory_space<vmem>>, vector<16xf32>,
      tpu.vector_store %arg9[%swap3A_642], %mul3A_641 {add = true, strides = array<i32>} : memref<8192xf32, #tpu.memory_space<vmem>>, vector<16xf32>,
      %mul3A_644 = arith.constant 8.000000e+00 : f32
      %mul3A_645 = vector.broadcast %mul3A_644 : f32 to vector<16xf32>
      %mul3A_646 = arith.mulf %gather3A_602, %mul3A_645 : vector<16xf32>
      %swap3A_647 = arith.index_cast %mul3A_599 : i32 to index
      %swap3A_648 = tpu.vector_load %arg9[%swap3A_647] {strides = array<i32>} : memref<8192xf32, #tpu.memory_space<vmem>>, vector<16xf32>,
      tpu.vector_store %arg9[%swap3A_647], %mul3A_646 {add = true, strides = array<i32>} : memref<8192xf32, #tpu.memory_space<vmem>>, vector<16xf32>,
      %mul3A_649 = arith.constant 8.000000e+00 : f32
      %mul3A_650 = vector.broadcast %mul3A_649 : f32 to vector<16xf32>
      %mul3A_651 = arith.mulf %gather3A_609, %mul3A_650 : vector<16xf32>
      %swap3A_652 = arith.index_cast %mul3A_606 : i32 to index
      %swap3A_653 = tpu.vector_load %arg9[%swap3A_652] {strides = array<i32>} : memref<8192xf32, #tpu.memory_space<vmem>>, vector<16xf32>,
      tpu.vector_store %arg9[%swap3A_652], %mul3A_651 {add = true, strides = array<i32>} : memref<8192xf32, #tpu.memory_space<vmem>>, vector<16xf32>,
      %mul3A_654 = arith.constant 8.000000e+00 : f32
      %mul3A_655 = vector.broadcast %mul3A_654 : f32 to vector<16xf32>
      %mul3A_656 = arith.mulf %gather3A_616, %mul3A_655 : vector<16xf32>
      %swap3A_657 = arith.index_cast %mul3A_613 : i32 to index
      %swap3A_658 = tpu.vector_load %arg9[%swap3A_657] {strides = array<i32>} : memref<8192xf32, #tpu.memory_space<vmem>>, vector<16xf32>,
      tpu.vector_store %arg9[%swap3A_657], %mul3A_656 {add = true, strides = array<i32>} : memref<8192xf32, #tpu.memory_space<vmem>>, vector<16xf32>,
      %mul3A_659 = arith.constant 8.000000e+00 : f32
      %mul3A_660 = vector.broadcast %mul3A_659 : f32 to vector<16xf32>
      %mul3A_661 = arith.mulf %gather3A_623, %mul3A_660 : vector<16xf32>
      %swap3A_662 = arith.index_cast %mul3A_620 : i32 to index
      %swap3A_663 = tpu.vector_load %arg9[%swap3A_662] {strides = array<i32>} : memref<8192xf32, #tpu.memory_space<vmem>>, vector<16xf32>,
      tpu.vector_store %arg9[%swap3A_662], %mul3A_661 {add = true, strides = array<i32>} : memref<8192xf32, #tpu.memory_space<vmem>>, vector<16xf32>,
    }
    %scan3A_339 = arith.constant 64 : i32
    %dma_start3A_340 = arith.constant 0 : i32
    %dma_start3A_341 = arith.constant 0 : i32
    %dma_start3A_342 = tpu.memref_slice %arg9[%dma_start3A_341] : memref<8192xf32, #tpu.memory_space<vmem>> -> memref<2048xf32, #tpu.memory_space<vmem>>
    %dma_start3A_343 = arith.constant 0 : i32
    %dma_start3A_344 = tpu.memref_slice %arg5[%dma_start3A_340, %add3A_288, %dma_start3A_343] : memref<4x64x2048xf32, #tpu.memory_space<hbm>> -> memref<1x1x2048xf32, #tpu.memory_space<hbm>>
    %dma_start3A_345 = tpu.memref_squeeze %dma_start3A_344 : memref<1x1x2048xf32, #tpu.memory_space<hbm>> -> memref<2048xf32, #tpu.memory_space<hbm>>
    %dma_start3A_346 = arith.constant 0 : i32
    %dma_start3A_347 = tpu.memref_slice %arg5[%dma_start3A_340, %add3A_288, %dma_start3A_346] : memref<4x64x2048xf32, #tpu.memory_space<hbm>> -> memref<1x1x2048xf32, #tpu.memory_space<hbm>>
    %dma_start3A_348 = tpu.memref_squeeze %dma_start3A_347 : memref<1x1x2048xf32, #tpu.memory_space<hbm>> -> memref<2048xf32, #tpu.memory_space<hbm>>
    %dma_start3A_349 = arith.constant 0 : i32
    %dma_start3A_350 = tpu.memref_slice %arg9[%dma_start3A_349] : memref<8192xf32, #tpu.memory_space<vmem>> -> memref<2048xf32, #tpu.memory_space<vmem>>
    tpu.enqueue_dma source(%dma_start3A_350 : memref<2048xf32, #tpu.memory_space<vmem>>) target(%dma_start3A_348 : memref<2048xf32, #tpu.memory_space<hbm>>) target_semaphore(%arg13 : memref<!tpu.dma_semaphore, #tpu.memory_space<semaphore_mem>>)
    %dma_start3A_351 = arith.constant 1 : i32
    %dma_start3A_352 = arith.constant 2048 : i32
    %dma_start3A_353 = tpu.memref_slice %arg9[%dma_start3A_352] : memref<8192xf32, #tpu.memory_space<vmem>> -> memref<2048xf32, #tpu.memory_space<vmem>>
    %dma_start3A_354 = arith.constant 0 : i32
    %dma_start3A_355 = tpu.memref_slice %arg5[%dma_start3A_351, %add3A_288, %dma_start3A_354] : memref<4x64x2048xf32, #tpu.memory_space<hbm>> -> memref<1x1x2048xf32, #tpu.memory_space<hbm>>
    %dma_start3A_356 = tpu.memref_squeeze %dma_start3A_355 : memref<1x1x2048xf32, #tpu.memory_space<hbm>> -> memref<2048xf32, #tpu.memory_space<hbm>>
    %dma_start3A_357 = arith.constant 0 : i32
    %dma_start3A_358 = tpu.memref_slice %arg5[%dma_start3A_351, %add3A_288, %dma_start3A_357] : memref<4x64x2048xf32, #tpu.memory_space<hbm>> -> memref<1x1x2048xf32, #tpu.memory_space<hbm>>
    %dma_start3A_359 = tpu.memref_squeeze %dma_start3A_358 : memref<1x1x2048xf32, #tpu.memory_space<hbm>> -> memref<2048xf32, #tpu.memory_space<hbm>>
    %dma_start3A_360 = arith.constant 2048 : i32
    %dma_start3A_361 = tpu.memref_slice %arg9[%dma_start3A_360] : memref<8192xf32, #tpu.memory_space<vmem>> -> memref<2048xf32, #tpu.memory_space<vmem>>
    tpu.enqueue_dma source(%dma_start3A_361 : memref<2048xf32, #tpu.memory_space<vmem>>) target(%dma_start3A_359 : memref<2048xf32, #tpu.memory_space<hbm>>) target_semaphore(%arg13 : memref<!tpu.dma_semaphore, #tpu.memory_space<semaphore_mem>>)
    %dma_start3A_362 = arith.constant 2 : i32
    %dma_start3A_363 = arith.constant 4096 : i32
    %dma_start3A_364 = tpu.memref_slice %arg9[%dma_start3A_363] : memref<8192xf32, #tpu.memory_space<vmem>> -> memref<2048xf32, #tpu.memory_space<vmem>>
    %dma_start3A_365 = arith.constant 0 : i32
    %dma_start3A_366 = tpu.memref_slice %arg5[%dma_start3A_362, %add3A_288, %dma_start3A_365] : memref<4x64x2048xf32, #tpu.memory_space<hbm>> -> memref<1x1x2048xf32, #tpu.memory_space<hbm>>
    %dma_start3A_367 = tpu.memref_squeeze %dma_start3A_366 : memref<1x1x2048xf32, #tpu.memory_space<hbm>> -> memref<2048xf32, #tpu.memory_space<hbm>>
    %dma_start3A_368 = arith.constant 0 : i32
    %dma_start3A_369 = tpu.memref_slice %arg5[%dma_start3A_362, %add3A_288, %dma_start3A_368] : memref<4x64x2048xf32, #tpu.memory_space<hbm>> -> memref<1x1x2048xf32, #tpu.memory_space<hbm>>
    %dma_start3A_370 = tpu.memref_squeeze %dma_start3A_369 : memref<1x1x2048xf32, #tpu.memory_space<hbm>> -> memref<2048xf32, #tpu.memory_space<hbm>>
    %dma_start3A_371 = arith.constant 4096 : i32
    %dma_start3A_372 = tpu.memref_slice %arg9[%dma_start3A_371] : memref<8192xf32, #tpu.memory_space<vmem>> -> memref<2048xf32, #tpu.memory_space<vmem>>
    tpu.enqueue_dma source(%dma_start3A_372 : memref<2048xf32, #tpu.memory_space<vmem>>) target(%dma_start3A_370 : memref<2048xf32, #tpu.memory_space<hbm>>) target_semaphore(%arg13 : memref<!tpu.dma_semaphore, #tpu.memory_space<semaphore_mem>>)
    %dma_start3A_373 = arith.constant 3 : i32
    %dma_start3A_374 = arith.constant 6144 : i32
    %dma_start3A_375 = tpu.memref_slice %arg9[%dma_start3A_374] : memref<8192xf32, #tpu.memory_space<vmem>> -> memref<2048xf32, #tpu.memory_space<vmem>>
    %dma_start3A_376 = arith.constant 0 : i32
    %dma_start3A_377 = tpu.memref_slice %arg5[%dma_start3A_373, %add3A_288, %dma_start3A_376] : memref<4x64x2048xf32, #tpu.memory_space<hbm>> -> memref<1x1x2048xf32, #tpu.memory_space<hbm>>
    %dma_start3A_378 = tpu.memref_squeeze %dma_start3A_377 : memref<1x1x2048xf32, #tpu.memory_space<hbm>> -> memref<2048xf32, #tpu.memory_space<hbm>>
    %dma_start3A_379 = arith.constant 0 : i32
    %dma_start3A_380 = tpu.memref_slice %arg5[%dma_start3A_373, %add3A_288, %dma_start3A_379] : memref<4x64x2048xf32, #tpu.memory_space<hbm>> -> memref<1x1x2048xf32, #tpu.memory_space<hbm>>
    %dma_start3A_381 = tpu.memref_squeeze %dma_start3A_380 : memref<1x1x2048xf32, #tpu.memory_space<hbm>> -> memref<2048xf32, #tpu.memory_space<hbm>>
    %dma_start3A_382 = arith.constant 6144 : i32
    %dma_start3A_383 = tpu.memref_slice %arg9[%dma_start3A_382] : memref<8192xf32, #tpu.memory_space<vmem>> -> memref<2048xf32, #tpu.memory_space<vmem>>
    tpu.enqueue_dma source(%dma_start3A_383 : memref<2048xf32, #tpu.memory_space<vmem>>) target(%dma_start3A_381 : memref<2048xf32, #tpu.memory_space<hbm>>) target_semaphore(%arg13 : memref<!tpu.dma_semaphore, #tpu.memory_space<semaphore_mem>>)
    %dma_wait3A_384 = arith.constant 0 : i32
    %dma_wait3A_385 = arith.constant 0 : i32
    %dma_wait3A_386 = tpu.memref_slice %arg8[%dma_wait3A_385] : memref<8192xf32, #tpu.memory_space<vmem>> -> memref<2048xf32, #tpu.memory_space<vmem>>
    %dma_wait3A_387 = arith.constant 0 : i32
    %dma_wait3A_388 = tpu.memref_slice %arg5[%dma_wait3A_384, %add3A_136, %dma_wait3A_387] : memref<4x64x2048xf32, #tpu.memory_space<hbm>> -> memref<1x1x2048xf32, #tpu.memory_space<hbm>>
    %dma_wait3A_389 = tpu.memref_squeeze %dma_wait3A_388 : memref<1x1x2048xf32, #tpu.memory_space<hbm>> -> memref<2048xf32, #tpu.memory_space<hbm>>
    %dma_wait3A_390 = arith.constant 0 : i32
    %dma_wait3A_391 = tpu.memref_slice %arg5[%dma_wait3A_384, %add3A_136, %dma_wait3A_390] : memref<4x64x2048xf32, #tpu.memory_space<hbm>> -> memref<1x1x2048xf32, #tpu.memory_space<hbm>>
    %dma_wait3A_392 = tpu.memref_squeeze %dma_wait3A_391 : memref<1x1x2048xf32, #tpu.memory_space<hbm>> -> memref<2048xf32, #tpu.memory_space<hbm>>
    %dma_wait3A_393 = arith.constant 0 : i32
    %dma_wait3A_394 = tpu.memref_slice %arg8[%dma_wait3A_393] : memref<8192xf32, #tpu.memory_space<vmem>> -> memref<2048xf32, #tpu.memory_space<vmem>>
    tpu.wait_dma2 semaphore(%arg13 : memref<!tpu.dma_semaphore, #tpu.memory_space<semaphore_mem>>) src(%dma_wait3A_394 : memref<2048xf32, #tpu.memory_space<vmem>>) dst(%dma_wait3A_392 : memref<2048xf32, #tpu.memory_space<hbm>>)
    %dma_wait3A_395 = arith.constant 1 : i32
    %dma_wait3A_396 = arith.constant 2048 : i32
    %dma_wait3A_397 = tpu.memref_slice %arg8[%dma_wait3A_396] : memref<8192xf32, #tpu.memory_space<vmem>> -> memref<2048xf32, #tpu.memory_space<vmem>>
    %dma_wait3A_398 = arith.constant 0 : i32
    %dma_wait3A_399 = tpu.memref_slice %arg5[%dma_wait3A_395, %add3A_136, %dma_wait3A_398] : memref<4x64x2048xf32, #tpu.memory_space<hbm>> -> memref<1x1x2048xf32, #tpu.memory_space<hbm>>
    %dma_wait3A_400 = tpu.memref_squeeze %dma_wait3A_399 : memref<1x1x2048xf32, #tpu.memory_space<hbm>> -> memref<2048xf32, #tpu.memory_space<hbm>>
    %dma_wait3A_401 = arith.constant 0 : i32
    %dma_wait3A_402 = tpu.memref_slice %arg5[%dma_wait3A_395, %add3A_136, %dma_wait3A_401] : memref<4x64x2048xf32, #tpu.memory_space<hbm>> -> memref<1x1x2048xf32, #tpu.memory_space<hbm>>
    %dma_wait3A_403 = tpu.memref_squeeze %dma_wait3A_402 : memref<1x1x2048xf32, #tpu.memory_space<hbm>> -> memref<2048xf32, #tpu.memory_space<hbm>>
    %dma_wait3A_404 = arith.constant 2048 : i32
    %dma_wait3A_405 = tpu.memref_slice %arg8[%dma_wait3A_404] : memref<8192xf32, #tpu.memory_space<vmem>> -> memref<2048xf32, #tpu.memory_space<vmem>>
    tpu.wait_dma2 semaphore(%arg13 : memref<!tpu.dma_semaphore, #tpu.memory_space<semaphore_mem>>) src(%dma_wait3A_405 : memref<2048xf32, #tpu.memory_space<vmem>>) dst(%dma_wait3A_403 : memref<2048xf32, #tpu.memory_space<hbm>>)
    %dma_wait3A_406 = arith.constant 2 : i32
    %dma_wait3A_407 = arith.constant 4096 : i32
    %dma_wait3A_408 = tpu.memref_slice %arg8[%dma_wait3A_407] : memref<8192xf32, #tpu.memory_space<vmem>> -> memref<2048xf32, #tpu.memory_space<vmem>>
    %dma_wait3A_409 = arith.constant 0 : i32
    %dma_wait3A_410 = tpu.memref_slice %arg5[%dma_wait3A_406, %add3A_136, %dma_wait3A_409] : memref<4x64x2048xf32, #tpu.memory_space<hbm>> -> memref<1x1x2048xf32, #tpu.memory_space<hbm>>
    %dma_wait3A_411 = tpu.memref_squeeze %dma_wait3A_410 : memref<1x1x2048xf32, #tpu.memory_space<hbm>> -> memref<2048xf32, #tpu.memory_space<hbm>>
    %dma_wait3A_412 = arith.constant 0 : i32
    %dma_wait3A_413 = tpu.memref_slice %arg5[%dma_wait3A_406, %add3A_136, %dma_wait3A_412] : memref<4x64x2048xf32, #tpu.memory_space<hbm>> -> memref<1x1x2048xf32, #tpu.memory_space<hbm>>
    %dma_wait3A_414 = tpu.memref_squeeze %dma_wait3A_413 : memref<1x1x2048xf32, #tpu.memory_space<hbm>> -> memref<2048xf32, #tpu.memory_space<hbm>>
    %dma_wait3A_415 = arith.constant 4096 : i32
    %dma_wait3A_416 = tpu.memref_slice %arg8[%dma_wait3A_415] : memref<8192xf32, #tpu.memory_space<vmem>> -> memref<2048xf32, #tpu.memory_space<vmem>>
    tpu.wait_dma2 semaphore(%arg13 : memref<!tpu.dma_semaphore, #tpu.memory_space<semaphore_mem>>) src(%dma_wait3A_416 : memref<2048xf32, #tpu.memory_space<vmem>>) dst(%dma_wait3A_414 : memref<2048xf32, #tpu.memory_space<hbm>>)
    %dma_wait3A_417 = arith.constant 3 : i32
    %dma_wait3A_418 = arith.constant 6144 : i32
    %dma_wait3A_419 = tpu.memref_slice %arg8[%dma_wait3A_418] : memref<8192xf32, #tpu.memory_space<vmem>> -> memref<2048xf32, #tpu.memory_space<vmem>>
    %dma_wait3A_420 = arith.constant 0 : i32
    %dma_wait3A_421 = tpu.memref_slice %arg5[%dma_wait3A_417, %add3A_136, %dma_wait3A_420] : memref<4x64x2048xf32, #tpu.memory_space<hbm>> -> memref<1x1x2048xf32, #tpu.memory_space<hbm>>
    %dma_wait3A_422 = tpu.memref_squeeze %dma_wait3A_421 : memref<1x1x2048xf32, #tpu.memory_space<hbm>> -> memref<2048xf32, #tpu.memory_space<hbm>>
    %dma_wait3A_423 = arith.constant 0 : i32
    %dma_wait3A_424 = tpu.memref_slice %arg5[%dma_wait3A_417, %add3A_136, %dma_wait3A_423] : memref<4x64x2048xf32, #tpu.memory_space<hbm>> -> memref<1x1x2048xf32, #tpu.memory_space<hbm>>
    %dma_wait3A_425 = tpu.memref_squeeze %dma_wait3A_424 : memref<1x1x2048xf32, #tpu.memory_space<hbm>> -> memref<2048xf32, #tpu.memory_space<hbm>>
    %dma_wait3A_426 = arith.constant 6144 : i32
    %dma_wait3A_427 = tpu.memref_slice %arg8[%dma_wait3A_426] : memref<8192xf32, #tpu.memory_space<vmem>> -> memref<2048xf32, #tpu.memory_space<vmem>>
    tpu.wait_dma2 semaphore(%arg13 : memref<!tpu.dma_semaphore, #tpu.memory_space<semaphore_mem>>) src(%dma_wait3A_427 : memref<2048xf32, #tpu.memory_space<vmem>>) dst(%dma_wait3A_425 : memref<2048xf32, #tpu.memory_space<hbm>>)
    %dma_wait3A_428 = arith.constant 0 : i32
    %dma_wait3A_429 = arith.constant 0 : i32
    %dma_wait3A_430 = tpu.memref_slice %arg9[%dma_wait3A_429] : memref<8192xf32, #tpu.memory_space<vmem>> -> memref<2048xf32, #tpu.memory_space<vmem>>
    %dma_wait3A_431 = arith.constant 0 : i32
    %dma_wait3A_432 = tpu.memref_slice %arg5[%dma_wait3A_428, %add3A_288, %dma_wait3A_431] : memref<4x64x2048xf32, #tpu.memory_space<hbm>> -> memref<1x1x2048xf32, #tpu.memory_space<hbm>>
    %dma_wait3A_433 = tpu.memref_squeeze %dma_wait3A_432 : memref<1x1x2048xf32, #tpu.memory_space<hbm>> -> memref<2048xf32, #tpu.memory_space<hbm>>
    %dma_wait3A_434 = arith.constant 0 : i32
    %dma_wait3A_435 = tpu.memref_slice %arg5[%dma_wait3A_428, %add3A_288, %dma_wait3A_434] : memref<4x64x2048xf32, #tpu.memory_space<hbm>> -> memref<1x1x2048xf32, #tpu.memory_space<hbm>>
    %dma_wait3A_436 = tpu.memref_squeeze %dma_wait3A_435 : memref<1x1x2048xf32, #tpu.memory_space<hbm>> -> memref<2048xf32, #tpu.memory_space<hbm>>
    %dma_wait3A_437 = arith.constant 0 : i32
    %dma_wait3A_438 = tpu.memref_slice %arg9[%dma_wait3A_437] : memref<8192xf32, #tpu.memory_space<vmem>> -> memref<2048xf32, #tpu.memory_space<vmem>>
    tpu.wait_dma2 semaphore(%arg13 : memref<!tpu.dma_semaphore, #tpu.memory_space<semaphore_mem>>) src(%dma_wait3A_438 : memref<2048xf32, #tpu.memory_space<vmem>>) dst(%dma_wait3A_436 : memref<2048xf32, #tpu.memory_space<hbm>>)
    %dma_wait3A_439 = arith.constant 1 : i32
    %dma_wait3A_440 = arith.constant 2048 : i32
    %dma_wait3A_441 = tpu.memref_slice %arg9[%dma_wait3A_440] : memref<8192xf32, #tpu.memory_space<vmem>> -> memref<2048xf32, #tpu.memory_space<vmem>>
    %dma_wait3A_442 = arith.constant 0 : i32
    %dma_wait3A_443 = tpu.memref_slice %arg5[%dma_wait3A_439, %add3A_288, %dma_wait3A_442] : memref<4x64x2048xf32, #tpu.memory_space<hbm>> -> memref<1x1x2048xf32, #tpu.memory_space<hbm>>
    %dma_wait3A_444 = tpu.memref_squeeze %dma_wait3A_443 : memref<1x1x2048xf32, #tpu.memory_space<hbm>> -> memref<2048xf32, #tpu.memory_space<hbm>>
    %dma_wait3A_445 = arith.constant 0 : i32
    %dma_wait3A_446 = tpu.memref_slice %arg5[%dma_wait3A_439, %add3A_288, %dma_wait3A_445] : memref<4x64x2048xf32, #tpu.memory_space<hbm>> -> memref<1x1x2048xf32, #tpu.memory_space<hbm>>
    %dma_wait3A_447 = tpu.memref_squeeze %dma_wait3A_446 : memref<1x1x2048xf32, #tpu.memory_space<hbm>> -> memref<2048xf32, #tpu.memory_space<hbm>>
    %dma_wait3A_448 = arith.constant 2048 : i32
    %dma_wait3A_449 = tpu.memref_slice %arg9[%dma_wait3A_448] : memref<8192xf32, #tpu.memory_space<vmem>> -> memref<2048xf32, #tpu.memory_space<vmem>>
    tpu.wait_dma2 semaphore(%arg13 : memref<!tpu.dma_semaphore, #tpu.memory_space<semaphore_mem>>) src(%dma_wait3A_449 : memref<2048xf32, #tpu.memory_space<vmem>>) dst(%dma_wait3A_447 : memref<2048xf32, #tpu.memory_space<hbm>>)
    %dma_wait3A_450 = arith.constant 2 : i32
    %dma_wait3A_451 = arith.constant 4096 : i32
    %dma_wait3A_452 = tpu.memref_slice %arg9[%dma_wait3A_451] : memref<8192xf32, #tpu.memory_space<vmem>> -> memref<2048xf32, #tpu.memory_space<vmem>>
    %dma_wait3A_453 = arith.constant 0 : i32
    %dma_wait3A_454 = tpu.memref_slice %arg5[%dma_wait3A_450, %add3A_288, %dma_wait3A_453] : memref<4x64x2048xf32, #tpu.memory_space<hbm>> -> memref<1x1x2048xf32, #tpu.memory_space<hbm>>
    %dma_wait3A_455 = tpu.memref_squeeze %dma_wait3A_454 : memref<1x1x2048xf32, #tpu.memory_space<hbm>> -> memref<2048xf32, #tpu.memory_space<hbm>>
    %dma_wait3A_456 = arith.constant 0 : i32
    %dma_wait3A_457 = tpu.memref_slice %arg5[%dma_wait3A_450, %add3A_288, %dma_wait3A_456] : memref<4x64x2048xf32, #tpu.memory_space<hbm>> -> memref<1x1x2048xf32, #tpu.memory_space<hbm>>
    %dma_wait3A_458 = tpu.memref_squeeze %dma_wait3A_457 : memref<1x1x2048xf32, #tpu.memory_space<hbm>> -> memref<2048xf32, #tpu.memory_space<hbm>>
    %dma_wait3A_459 = arith.constant 4096 : i32
    %dma_wait3A_460 = tpu.memref_slice %arg9[%dma_wait3A_459] : memref<8192xf32, #tpu.memory_space<vmem>> -> memref<2048xf32, #tpu.memory_space<vmem>>
    tpu.wait_dma2 semaphore(%arg13 : memref<!tpu.dma_semaphore, #tpu.memory_space<semaphore_mem>>) src(%dma_wait3A_460 : memref<2048xf32, #tpu.memory_space<vmem>>) dst(%dma_wait3A_458 : memref<2048xf32, #tpu.memory_space<hbm>>)
    %dma_wait3A_461 = arith.constant 3 : i32
    %dma_wait3A_462 = arith.constant 6144 : i32
    %dma_wait3A_463 = tpu.memref_slice %arg9[%dma_wait3A_462] : memref<8192xf32, #tpu.memory_space<vmem>> -> memref<2048xf32, #tpu.memory_space<vmem>>
    %dma_wait3A_464 = arith.constant 0 : i32
    %dma_wait3A_465 = tpu.memref_slice %arg5[%dma_wait3A_461, %add3A_288, %dma_wait3A_464] : memref<4x64x2048xf32, #tpu.memory_space<hbm>> -> memref<1x1x2048xf32, #tpu.memory_space<hbm>>
    %dma_wait3A_466 = tpu.memref_squeeze %dma_wait3A_465 : memref<1x1x2048xf32, #tpu.memory_space<hbm>> -> memref<2048xf32, #tpu.memory_space<hbm>>
    %dma_wait3A_467 = arith.constant 0 : i32
    %dma_wait3A_468 = tpu.memref_slice %arg5[%dma_wait3A_461, %add3A_288, %dma_wait3A_467] : memref<4x64x2048xf32, #tpu.memory_space<hbm>> -> memref<1x1x2048xf32, #tpu.memory_space<hbm>>
    %dma_wait3A_469 = tpu.memref_squeeze %dma_wait3A_468 : memref<1x1x2048xf32, #tpu.memory_space<hbm>> -> memref<2048xf32, #tpu.memory_space<hbm>>
    %dma_wait3A_470 = arith.constant 6144 : i32
    %dma_wait3A_471 = tpu.memref_slice %arg9[%dma_wait3A_470] : memref<8192xf32, #tpu.memory_space<vmem>> -> memref<2048xf32, #tpu.memory_space<vmem>>
    tpu.wait_dma2 semaphore(%arg13 : memref<!tpu.dma_semaphore, #tpu.memory_space<semaphore_mem>>) src(%dma_wait3A_471 : memref<2048xf32, #tpu.memory_space<vmem>>) dst(%dma_wait3A_469 : memref<2048xf32, #tpu.memory_space<hbm>>)
    return
  }
}

</mosaic_0001>

<sc_bundles>
// kernel: _embed_lookup_t.3.cloned.1.call-start
scs
__scs_entry_jumppad:
0x0: {  	(pc) =	sbr.rel $0x88, $3  }
0x1: {  	(tag) =	ssettag $0x0;
	lr =	simm.s32 $0x1  }
0x2: {  	[smem:$0x3F9E] =	sst lr;
	_ =	strace $0xD0000000  }
0x3: {  	_ = 	snop  }
0x4: {  	_ = 	snop  }
0x5: {  	_ = 	snop  }
0x6: {  	_ = 	snop  }
0x7: {  	_ = 	snop  }
__scs_overlays_trampoline_lowered:
0x8: {  	[smem:$0x3FAD] =	sst s0  }
0x9: {  	[smem:$0x3FAE] =	sst s1  }
0xa: {  	[smem:$0x3FAF] =	sst s2  }
0xb: {  	[smem:$0x3FB0] =	sst s3  }
0xc: {  	[smem:$0x3FB1] =	sst s4  }
0xd: {  	[smem:$0x3FB2] =	sst s5  }
0xe: {  	[smem:$0x3FB3] =	sst s6  }
0xf: {  	[smem:$0x3FB4] =	sst s7  }
0x10: {  	[smem:$0x3FB5] =	sst s8  }
0x11: {  	[smem:$0x3FB6] =	sst s9;
	s0 =	simm.s32 @!p0 $0x0  }
0x12: {  	s1 =	sld [smem:$0x3F9C];
	s0 =	simm.s32 @p0 $0x1  }
0x13: {  	[smem:$0x3FB7] =	sst s0;
	s0 =	simm.s32 @!p1 $0x0  }
0x14: {  	s2 =	sld [smem:$0x3F9B];
	s0 =	simm.s32 @p1 $0x1  }
0x15: {  	[smem:$0x3FB8] =	sst s0;
	s0 =	simm.s32 @!p2 $0x0  }
0x16: {  	s3 =	sld [smem:$0x3FDB];
	s0 =	simm.s32 @p2 $0x1  }
0x17: {  	s4 =	simm.s32 $0x1BF5;
	[smem:$0x3FBA] =	sst s0  }
0x18: {  	s0 =	sld [smem:$0x3F9D];
	_ =	swait.ge [sflag:s4], $0x0  }
0x19: {  	s7 =	sld [smem:$0x3F9E]  }
0x1a: {  	s8 =	sadd.s32 $0xFFFFE003, lr  }
0x1b: {  	s9 =	sadd.s32 $0xFFFFFEF7, lr;
	s5 =	simm.s32 $0xFFFFFFFF;
	p2 =	slt.u32 s8, $0xFFFFF086  }
0x1c: {  	p1 =	slt.u32 s9, $0xF7A;
	s5 =	simm.s32 @!p2 $0x0  }
0x1d: {  	s5 =	simm.s32 @p1 $0x1;
	p0 =	seq.s32 s7, s2  }
0x1e: {  	s7 =	smul.u32 @!p0 $0xF7A, s2;
	p2 =	seq.s32 @!p0 s5, $0x0  }
0x1f: {  	s9 =	smul.u32 $0xF7A, s1;
	s8 =	simm.s32 @!p0 $0x1BF5;
	p2 =	por !p2, p0  }
0x20: {  	[sflag:s8] =	ssyncset.s32 @!p0 $0xFFFFF086;
	s6 =	sadd.s32 @!p0 s3, s7;
	s7 =	simm.s32 @!p0 $0x108  }
0x21: {  	s3 =	sadd.s32 s3, s9;
	s6 =	sadd.s32 @!p0 $0x88, s6;
	s7 =	simm.s32 @p2 $0x1082  }
0x22: {  	[simem:s7], [sflag:s8] =	dma.local @!p0 [hbm:s6], $0xF7A  }
0x23: {  	s9 =	sor.u32 $0xD0000000, s2;
	s6 =	simm.s32 $0x108;
	_ =	swait.ge @!p0 [sflag:s8], $0x0  }
0x24: {  	s3 =	sadd.s32 $0x88, s3;
	s6 =	simm.s32 @!p1 $0x1082;
	[sflag:s4] =	ssyncset.s32 $0xFFFFF086  }
0x25: {  	[simem:s6], [sflag:s4] =	dma.local [hbm:s3], $0xF7A  }
0x26: {  	[smem:$0x3F9E] =	sst s1;
	(tag) =	ssettag s2;
	_ =	strace s9  }
0x27: {  	s1 =	sld [smem:$0x3FAE]  }
0x28: {  	s2 =	sld [smem:$0x3FAF]  }
0x29: {  	s4 =	sld [smem:$0x3FB1]  }
0x2a: {  	p0 =	seq.s32 s5, $0x0;
	s5 =	sld [smem:$0x3FB2]  }
0x2b: {  	s6 =	sld [smem:$0x3FB3]  }
0x2c: {  	s7 =	sld [smem:$0x3FB4]  }
0x2d: {  	s3 =	simm.s32 $0x108;
	s8 =	sld [smem:$0x3FB5]  }
0x2e: {  	s3 =	simm.s32 @!p0 $0x1082;
	s9 =	sld [smem:$0x3FB6]  }
0x2f: {  	lr =	sadd.s32 s0, s3;
	s0 =	sld [smem:$0x3FAD]  }
0x30: {  	s3 =	sld [smem:$0x3FB0]  }
0x31: {  	[smem:$0x3FB9] =	sst s10  }
0x32: {  	s10 =	sld [smem:$0x3FB7];
	_ =	sdelay $0x3  }
0x33: {  	p0 =	seq.s32 s10, $0x1;
	s10 =	sld [smem:$0x3FB9];
	_ =	sdelay $0x3  }
0x34: {  	[smem:$0x3FB9] =	sst s10  }
0x35: {  	s10 =	sld [smem:$0x3FB8];
	_ =	sdelay $0x3  }
0x36: {  	p1 =	seq.s32 s10, $0x1;
	s10 =	sld [smem:$0x3FB9];
	_ =	sdelay $0x3  }
0x37: {  	[smem:$0x3FB9] =	sst s10  }
0x38: {  	s10 =	sld [smem:$0x3FBA]  }
0x39: {  	_ = 	snop;
	(pc) =	sbr.ind lr, $3  }
0x3a: {  	_ = 	snop  }
0x3b: {  	_ = 	snop  }
0x3c: {  	p2 =	seq.s32 s10, $0x1;
	s10 =	sld [smem:$0x3FB9]  }
0x3d: {  	_ =	shalt  }
0x3e: {  	_ =	shalt  }
0x3f: {  	_ =	shalt  }
0x40: {  	_ =	shalt  }
0x41: {  	_ =	shalt  }
0x42: {  	_ =	shalt  }
0x43: {  	_ =	shalt  }
0x44: {  	_ =	shalt  }
0x45: {  	_ =	shalt  }
0x46: {  	_ =	shalt  }
0x47: {  	_ =	shalt  }
0x48: {  	_ =	shalt  }
0x49: {  	_ =	shalt  }
0x4a: {  	_ =	shalt  }
0x4b: {  	_ =	shalt  }
0x4c: {  	_ =	shalt  }
0x4d: {  	_ =	shalt  }
0x4e: {  	_ =	shalt  }
0x4f: {  	_ =	shalt  }
0x50: {  	_ =	shalt  }
0x51: {  	_ =	shalt  }
0x52: {  	_ =	shalt  }
0x53: {  	_ =	shalt  }
0x54: {  	_ =	shalt  }
0x55: {  	_ =	shalt  }
0x56: {  	_ =	shalt  }
0x57: {  	_ =	shalt  }
0x58: {  	_ =	shalt  }
0x59: {  	_ =	shalt  }
0x5a: {  	_ =	shalt  }
0x5b: {  	_ =	shalt  }
0x5c: {  	_ =	shalt  }
0x5d: {  	_ =	shalt  }
0x5e: {  	_ =	shalt  }
0x5f: {  	_ =	shalt  }
0x60: {  	_ =	shalt  }
0x61: {  	_ =	shalt  }
0x62: {  	_ =	shalt  }
0x63: {  	_ =	shalt  }
0x64: {  	_ =	shalt  }
0x65: {  	_ =	shalt  }
0x66: {  	_ =	shalt  }
0x67: {  	_ =	shalt  }
0x68: {  	_ =	shalt  }
0x69: {  	_ =	shalt  }
0x6a: {  	_ =	shalt  }
0x6b: {  	_ =	shalt  }
0x6c: {  	_ =	shalt  }
0x6d: {  	_ =	shalt  }
0x6e: {  	_ =	shalt  }
0x6f: {  	_ =	shalt  }
0x70: {  	_ =	shalt  }
0x71: {  	_ =	shalt  }
0x72: {  	_ =	shalt  }
0x73: {  	_ =	shalt  }
0x74: {  	_ =	shalt  }
0x75: {  	_ =	shalt  }
0x76: {  	_ =	shalt  }
0x77: {  	_ =	shalt  }
0x78: {  	_ =	shalt  }
0x79: {  	_ =	shalt  }
0x7a: {  	_ =	shalt  }
0x7b: {  	_ =	shalt  }
0x7c: {  	_ =	shalt  }
0x7d: {  	_ =	shalt  }
0x7e: {  	_ =	shalt  }
0x7f: {  	_ =	shalt  }
0x80: {  	_ =	shalt  }
0x81: {  	_ =	shalt  }
0x82: {  	_ =	shalt  }
0x83: {  	_ =	shalt  }
0x84: {  	_ =	shalt  }
0x85: {  	_ =	shalt  }
0x86: {  	_ =	shalt  }
0x87: {  	_ =	shalt  }
.Lfunc_end0:
.L_simem_size_0:
called_computation_lowered:
.L_overlay_start_0:
0x88: {  	s2 =	sld [smem:$0x3FD9]  }
0x89: {  	s3 =	sld [smem:$0x3FFE];
	_ =	sdelay $0x1  }
0x8a: {  	s1 =	srdreg.scid  }
0x8b: {  	s0 =	sand.u32 $0x1, s1  }
0x8c: {  	s18 =	sshll.u32 s0, $0xA;
	s2 =	sadd.s32 s3, s2  }
0x8d: {  	s2 =	sadd.s32 s2, s18  }
0x8e: {  	[smem:$0x3FC5] =	sst s2  }
0x8f: {  	_ = 	snop  }
0x90: {  	s2 =	sld [smem:$0x3FC9]  }
0x91: {  	s19 =	sld [smem:$0x3FC8]  }
0x92: {  	s4 =	sld [smem:$0x3FC7]  }
0x93: {  	s5 =	sld [smem:$0x3FD0];
	(tm) =	ssettm $0x1  }
0x94: {  	s6 =	sld [smem:$0x3FFB];
	_ =	sdelay $0x3  }
0x95: {  	_ =	strace s6  }
0x96: {  	s6 =	sld [smem:$0x3FFC];
	_ =	sdelay $0x3  }
0x97: {  	_ =	strace s6  }
0x98: {  	s6 =	sld [smem:$0x3FFD];
	_ =	sdelay $0x3  }
0x99: {  	_ =	strace s6  }
0x9a: {  	_ =	strace $0x8FFFFFFF  }
0x9b: {  	s20 =	sld [smem:$0x3FDB];
	_ =	sdelay $0x1  }
0x9c: {  	s7 =	simm.s32 $_scs_section_size  }
0x9d: {  	s8 =	simm.s32 $_size__tile_overlayer_lowered;
	s9 =	simm.s32 $_tile_overlayer_lowered  }
0x9e: {  	s23 =	simm.s32 $0x1BFF;
	s22 =	sshll.u32 s9, $0x1;
	s6 =	sadd.s32 s7, s20  }
0x9f: {  	s10 =	simm.s32 $0x0;
	s21 =	sshll.u32 s8, $0x1;
	s8 =	sadd.s32 s22, s6  }
0xa0: {  	[timem:s10], [sflag:s23] =	dma.local [hbm:s8], s21  }
0xa1: {  	_ =	swait.ge [sflag:s23], s21  }
0xa2: {  	s7 =	ssub.s32 $0x0, s21;
	[sflag:s23] =	ssyncset.done $0x0  }
0xa3: {  	[sflag:s23] =	ssyncadd.s32 s7;
	_ =	sdelay $0x1  }
0xa4: {  	s24 =	simm.s32 $0x1B8B  }
0xa5: {  	_ =	swait.ge [sflag:s24], $0x1  }
0xa6: {  	[sflag:s24] =	ssyncset.done $0x0  }
0xa7: {  	s25 =	simm.s32 $0x1B8E;
	[sflag:s24] =	ssyncadd.s32 $0xFFFFFFFF  }
0xa8: {  	s26 =	simm.s32 $execute0_lowered;
	[smem:$0x3FD2] =	sst s25  }
0xa9: {  	s7 =	sshll.u32 s26, $0x1;
	_ =	strace $0x80000046;
	[dreg:$0x1] =	wrdreg $0xFFFFFFFF  }
0xaa: {  	s28 =	simm.s32 $_size_execute0_lowered;
	s6 =	sadd.s32 s6, s7;
	[dreg:$0x0] =	wrdreg $0x0  }
0xab: {  	s7 =	sshll.u32 s28, $0x1;
	[dreg:$0x2] =	wrdreg s6  }
0xac: {  	[dreg:$0x3] =	wrdreg s7  }
0xad: {  	[dreg:$0x4] =	wrdreg $0xC0  }
0xae: {  	_ =	task [dreg:s10], $0x5FFFF  }
0xaf: {  	[dreg:$0x1] =	wrdreg $0xFFFFFFFF  }
0xb0: {  	[dreg:$0x0] =	wrdreg $0x60  }
0xb1: {  	[dreg:$0x2] =	wrdreg s2  }
0xb2: {  	[dreg:$0x3] =	wrdreg s19  }
0xb3: {  	[dreg:$0x4] =	wrdreg s4  }
0xb4: {  	[dreg:$0x5] =	wrdreg s5  }
0xb5: {  	[dreg:$0x6] =	wrdreg $0x9  }
0xb6: {  	_ =	task.clear_ibuf [dreg:s10], $0x7FFFF;
	_ =	strace $0x90000046  }
0xb7: {  	s29 =	simm.s32 $0x9;
	_ =	strace $0x80000048  }
0xb8: {  	_ =	swait.ge [sflag:s29], $0x1  }
0xb9: {  	[sflag:s29] =	ssyncadd.s32 $0xFFFFFFFF  }
0xba: {  	_ =	strace $0x90000048  }
0xbb: {  	_ =	sfence  }
0xbc: {  	s30 =	sld [smem:$0x0];
	_ =	sdelay $0x2  }
0xbd: {  	s31 =	sshll.u32 s1, $0xD;
	s1 =	sshrl.u32 s1, $0x2  }
0xbe: {  	s3 =	sand.u32 $0x4000, s31;
	s1 =	sadd.s32 s1, s30  }
0xbf: {  	s0 =	sor.u32 s3, s0;
	s1 =	sshll.u32 s1, $0x11  }
0xc0: {  	s0 =	sor.u32 s1, s0  }
0xc1: {  	s0 =	sadd.s32 $0x8F2B, s0  }
0xc2: {  	[sflag:s0] =	ssyncadd.remote.s32 $0x1  }
0xc3: {  	_ =	sfence.sel $0xFFFF  }
0xc4: {  	[dreg:$0x0] =	wrdreg $0xFFFFFFFF;
	(pc) =	sbr.abs _section_cstart, $3  }
0xc5: {  	[dreg:$0x1] =	wrdreg $0xFFFFFFFF  }
0xc6: {  	_ =	task.clear_ibuf [dreg:s10], $0x2FFFF;
	_ =	strace $0x9FFFFFFF  }
0xc7: {  	(tm) =	ssettm $0x7FFFFFFF  }
tec
execute0_lowered:
.L_overlay_start_1:
0x0: {  	(tag) =	ssettag $0x1  }
0x1: {  	s9 =	rddreg [dreg:$0x0]  }
0x2: {  	s0 =	rddreg [dreg:$0x1]  }
0x3: {  	s1 =	rddreg [dreg:$0x2]  }
0x4: {  	s2 =	rddreg [dreg:$0x3]  }
0x5: {  	s3 =	srdreg.scid;
	s7 =	simm.s32 $0x0;
	s6 =	stileid.u32  }
0x6: {  	s28 =	simm.s32 $0x1AF00;
	s29 =	simm.s32 $0x1B700;
	s30 =	simm.s32 $0x1BF00  }
0x7: {  	s31 =	simm.s32 $0x2000;
	s3 =	sand.u32 $0x1, s3;
	s5 =	sshll.u32 s6, $0x9  }
0x8: {  	s6 =	sshrl.u32 s6, $0x1;
	[smem:$0x7FF] =	sst s7;
	s14 =	sadd.s32 $0x10, s9  }
0x9: {  	s15 =	sadd.s32 $0x20, s9;
	s16 =	sadd.s32 $0x30, s9;
	s4 =	ssub.s32 $0x2, s3  }
0xa: {  	s3 =	sshll.u32 s3, $0x8;
	_ =	strace $0x80000047;
	[dreg:$0x5] =	wrdreg s14  }
0xb: {  	s5 =	sand.u32 $0x200, s5;
	s8 =	smul.u32 $0xC3800, s6;
	[dreg:$0x6] =	wrdreg s15  }
0xc: {  	[dreg:$0x7] =	wrdreg s16;
	s6 =	sshll.u32 s6, $0xE;
	s13 =	sshrl.u32 s4, $0x1  }
0xd: {  	s3 =	sor.u32 s3, s5;
	s16 =	sor.u32 $0x20000, s6;
	s23 =	sor.u32 $0x40000, s6  }
0xe: {  	s24 =	sor.u32 $0x60000, s6;
	s4 =	ssub.s32 s4, s13;
	s5 =	sor.u32 s8, s3  }
0xf: {  	s17 =	sor.u32 $0x80, s3;
	s19 =	sor.u32 s6, s3;
	s21 =	sor.u32 s3, s16  }
0x10: {  	s25 =	sor.u32 s3, s23;
	s3 =	sor.u32 s3, s24;
	s5 =	sshrl.u32 s5, $0x3  }
0x11: {  	s18 =	sor.u32 s8, s17;
	s20 =	sshrl.u32 s19, $0x3;
	s22 =	sshrl.u32 s21, $0x3  }
0x12: {  	s6 =	sor.u32 s6, s17;
	s3 =	sshrl.u32 s3, $0x3;
	s26 =	sor.u32 s16, s17  }
0x13: {  	s19 =	smax.u32 s4, $0x1;
	s21 =	simm.s32 $0x200;
	s4 =	simm.s32 $0x4  }
0x14: {  	s7 =	sadd.s32 s1, s5;
	s5 =	sadd.s32 s0, s5;
	s11 =	sadd.s32 s2, s20  }
0x15: {  	s12 =	sadd.s32 s2, s22;
	s6 =	sshrl.u32 s6, $0x3;
	s14 =	sadd.s32 s2, s3  }
0x16: {  	s3 =	sshrl.u32 s26, $0x3;
	s20 =	simm.s32 $0x80;
	s26 =	simm.s32 $0x1A700  }
0x17: {  	s22 =	simm.s32 $0x1CF00;
	[dreg:$0x8] =	wrdreg s5;
	s5 =	sshrl.u32 s18, $0x3  }
0x18: {  	s15 =	sadd.s32 s2, s6;
	s16 =	sadd.s32 s2, s3;
	s3 =	simm.s32 $0x2  }
0x19: {  	s0 =	sadd.s32 s0, s5;
	s10 =	sadd.s32 s1, s5;
	s5 =	sshrl.u32 s25, $0x3  }
0x1a: {  	s1 =	sor.u32 s24, s17;
	s25 =	simm.s32 $0x400;
	s24 =	simm.s32 $0x1DF00  }
0x1b: {  	[dreg:$0x9] =	wrdreg s0;
	s13 =	sadd.s32 s2, s5;
	s0 =	sor.u32 s23, s17  }
0x1c: {  	s1 =	sshrl.u32 s1, $0x3;
	s23 =	simm.s32 $0x1D700;
	s5 =	simm.s32 $0x0  }
0x1d: {  	s0 =	sshrl.u32 s0, $0x3;
	s18 =	sadd.s32 s2, s1;
	s1 =	simm.s32 $0x1C700  }
0x1e: {  	s17 =	sadd.s32 s2, s0;
	s0 =	simm.s32 $0x1;
	s2 =	simm.s32 $0x3  }
.LBB2_1:
0x1f: {  	s6 =	rddreg [dreg:$0x0];
	s8 =	simm.s32 $0x0  }
0x20: {  	[tilespmem:s8], [sflag:$0x1] =	stream.strided.gather [hbm4b:s6+s20], $0x800, s21, s20, $0x38;
	[tilespmem:$0x1E700] =	vst v63  }
0x21: {  	s9 =	simm.s32 $0x800;
	s8 =	rddreg [dreg:$0x5]  }
0x22: {  	[tilespmem:s9], [sflag:$0x1] =	stream.strided.gather [hbm4b:s8+s20], $0x800, s21, s20, $0x38;
	[tilespmem:$0x1E700] =	vst v63  }
0x23: {  	s8 =	rddreg [dreg:$0x6];
	s9 =	simm.s32 $0x1000  }
0x24: {  	[tilespmem:s9], [sflag:$0x1] =	stream.strided.gather [hbm4b:s8+s20], $0x800, s21, s20, $0x38;
	[tilespmem:$0x1E700] =	vst v63  }
0x25: {  	s8 =	rddreg [dreg:$0x7];
	s9 =	simm.s32 $0x1800  }
0x26: {  	[tilespmem:s9], [sflag:$0x1] =	stream.strided.gather [hbm4b:s8+s20], $0x800, s21, s20, $0x38;
	[tilespmem:$0x1E700] =	vst v63  }
0x27: {  	_ = 	snop  }
0x28: {  	[tilespmem:s26], [sflag:$0x3] =	stream.strided.gather [hbm4b:s7+s20], $0x800, s25, s20, $0x38;
	[tilespmem:$0x1E700] =	vst v63  }
0x29: {  	_ = 	snop  }
0x2a: {  	[tilespmem:s28], [sflag:$0x3] =	stream.strided.gather [hbm4b:s7+s20], $0x800, s25, s20, $0x38;
	[tilespmem:$0x1E700] =	vst v63  }
0x2b: {  	_ = 	snop  }
0x2c: {  	[tilespmem:s29], [sflag:$0x3] =	stream.strided.gather [hbm4b:s7+s20], $0x800, s25, s20, $0x38;
	[tilespmem:$0x1E700] =	vst v63  }
0x2d: {  	_ = 	snop  }
0x2e: {  	[tilespmem:s30], [sflag:$0x3] =	stream.strided.gather [hbm4b:s7+s20], $0x800, s25, s20, $0x38;
	[tilespmem:$0x1E700] =	vst v63  }
0x2f: {  	s9 =	rddreg [dreg:$0x8]  }
0x30: {  	[tilespmem:s31], [sflag:$0x2] =	stream.strided.gather [hbm4b:s9+s20], $0x18700, s25, s20, $0x38;
	[tilespmem:$0x1E700] =	vst v63  }
0x31: {  	_ =	swait.ge [sflag:s0], $0x800  }
0x32: {  	[sflag:s0] =	ssyncset.done $0x0  }
0x33: {  	[sflag:s0] =	ssyncadd.s32 $0xFFFFF800  }
0x34: {  	_ =	swait.ge [sflag:s0], $0x800  }
0x35: {  	[sflag:s0] =	ssyncset.done $0x0  }
0x36: {  	[sflag:s0] =	ssyncadd.s32 $0xFFFFF800  }
0x37: {  	_ =	swait.ge [sflag:s0], $0x800  }
0x38: {  	[sflag:s0] =	ssyncset.done $0x0  }
0x39: {  	[sflag:s0] =	ssyncadd.s32 $0xFFFFF800  }
0x3a: {  	_ =	swait.ge [sflag:s0], $0x800  }
0x3b: {  	[sflag:s0] =	ssyncset.done $0x0  }
0x3c: {  	[sflag:s0] =	ssyncadd.s32 $0xFFFFF800  }
0x3d: {  	_ =	swait.ge [sflag:s2], $0x800  }
0x3e: {  	[sflag:s2] =	ssyncset.done $0x0  }
0x3f: {  	[sflag:s2] =	ssyncadd.s32 $0xFFFFF800  }
0x40: {  	_ =	swait.ge [sflag:s2], $0x800  }
0x41: {  	[sflag:s2] =	ssyncset.done $0x0  }
0x42: {  	[sflag:s2] =	ssyncadd.s32 $0xFFFFF800  }
0x43: {  	_ =	swait.ge [sflag:s2], $0x800  }
0x44: {  	[sflag:s2] =	ssyncset.done $0x0  }
0x45: {  	[sflag:s2] =	ssyncadd.s32 $0xFFFFF800  }
0x46: {  	_ =	swait.ge [sflag:s2], $0x800  }
0x47: {  	[sflag:s2] =	ssyncset.done $0x0  }
0x48: {  	[sflag:s2] =	ssyncadd.s32 $0xFFFFF800  }
0x49: {  	_ =	swait.ge [sflag:s3], $0x18700  }
0x4a: {  	[sflag:s3] =	ssyncset.done $0x0  }
0x4b: {  	s6 =	simm.s32 $0x0;
	[sflag:s3] =	ssyncadd.s32 $0xFFFE7900  }
0x4c: {  	v0 =	vld [tilespmem:s6+$0x1800]  }
0x4d: {  	v1 =	vld [tilespmem:s6+$0x1400]  }
0x4e: {  	v2 =	vld [tilespmem:s6+$0x1000]  }
0x4f: {  	v3 =	vld [tilespmem:s6+$0xC10]  }
0x50: {  	v4 =	vld [tilespmem:s6+$0xC00]  }
0x51: {  	v5 =	vld [tilespmem:s6+$0x800]  }
0x52: {  	v6 =	vld [tilespmem:s6+$0x0]  }
0x53: {  	v7 =	vld [tilespmem:s6+$0x1C00]  }
0x54: {  	v8 =	vld [tilespmem:s6+$0x10]  }
0x55: {  	v9 =	vld [tilespmem:s6+$0x400]  }
0x56: {  	v10 =	vld [tilespmem:s6+$0x1C10]  }
0x57: {  	v11 =	vld [tilespmem:s6+$0x410]  }
0x58: {  	v12 =	vld [tilespmem:s6+$0x1810]  }
0x59: {  	v13 =	vld [tilespmem:s6+$0x1410]  }
0x5a: {  	v14 =	vld [tilespmem:s6+$0x810]  }
0x5b: {  	v15 =	vld [tilespmem:s6+$0x1010]  }
0x5c: {  	v2 =	vld.idx.msk [tilespmem:v2+s31+$0x0], $0xffff  }
0x5d: {  	v4 =	vld.idx.msk [tilespmem:v4+s31+$0x0], $0xffff  }
0x5e: {  	v6 =	vld.idx.msk [tilespmem:v6+s31+$0x0], $0xffff  }
0x5f: {  	v7 =	vld.idx.msk [tilespmem:v7+s31+$0x0], $0xffff  }
0x60: {  	v0 =	vld.idx.msk [tilespmem:v0+s31+$0x0], $0xffff  }
0x61: {  	v9 =	vld.idx.msk [tilespmem:v9+s31+$0x0], $0xffff  }
0x62: {  	v1 =	vld.idx.msk [tilespmem:v1+s31+$0x0], $0xffff;
	v4 =	vmul.f32 $8.000000000e+00, v4  }
0x63: {  	v5 =	vld.idx.msk [tilespmem:v5+s31+$0x0], $0xffff;
	v6 =	vmul.f32 $8.000000000e+00, v6  }
0x64: {  	v7 =	vmul.f32 $8.000000000e+00, v7;
	[tilespmem:s6+$0x1B300] =	vst.add.f32.msk $0xffff, v4  }
0x65: {  	v2 =	vmul.f32 $8.000000000e+00, v2;
	[tilespmem:s6+$0x1A700] =	vst.add.f32.msk $0xffff, v6  }
0x66: {  	v62 =	vmul.f32 $8.000000000e+00, v9;
	[tilespmem:s6+$0x1C300] =	vst.add.f32.msk $0xffff, v7  }
0x67: {  	v1 =	vmul.f32 $8.000000000e+00, v1;
	[tilespmem:s6+$0x1B700] =	vst.add.f32.msk $0xffff, v2  }
0x68: {  	v0 =	vmul.f32 $8.000000000e+00, v0;
	[tilespmem:s6+$0x1AB00] =	vst.add.f32.msk $0xffff, v62  }
0x69: {  	v2 =	vmul.f32 $8.000000000e+00, v5;
	[tilespmem:s6+$0x1BB00] =	vst.add.f32.msk $0xffff, v1  }
0x6a: {  	[tilespmem:s6+$0x1BF00] =	vst.add.f32.msk $0xffff, v0  }
0x6b: {  	[tilespmem:s6+$0x1AF00] =	vst.add.f32.msk $0xffff, v2  }
0x6c: {  	v0 =	vld.idx.msk [tilespmem:v8+s31+$0x0], $0xffff  }
0x6d: {  	v1 =	vld.idx.msk [tilespmem:v11+s31+$0x0], $0xffff  }
0x6e: {  	v2 =	vld.idx.msk [tilespmem:v14+s31+$0x0], $0xffff  }
0x6f: {  	v3 =	vld.idx.msk [tilespmem:v3+s31+$0x0], $0xffff  }
0x70: {  	v4 =	vld.idx.msk [tilespmem:v15+s31+$0x0], $0xffff  }
0x71: {  	v6 =	vld.idx.msk [tilespmem:v12+s31+$0x0], $0xffff  }
0x72: {  	v63 =	vld.idx.msk [tilespmem:v13+s31+$0x0], $0xffff;
	v0 =	vmul.f32 $8.000000000e+00, v0  }
0x73: {  	v7 =	vld.idx.msk [tilespmem:v10+s31+$0x0], $0xffff;
	v1 =	vmul.f32 $8.000000000e+00, v1  }
0x74: {  	[tilespmem:s6+$0x1A710] =	vst.add.f32.msk $0xffff, v0;
	v0 =	vmul.f32 $8.000000000e+00, v2  }
0x75: {  	[tilespmem:s6+$0x1AB10] =	vst.add.f32.msk $0xffff, v1;
	v1 =	vmul.f32 $8.000000000e+00, v3  }
0x76: {  	v2 =	vmul.f32 $8.000000000e+00, v6;
	[tilespmem:s6+$0x1AF10] =	vst.add.f32.msk $0xffff, v0  }
0x77: {  	v0 =	vmul.f32 $8.000000000e+00, v4;
	[tilespmem:s6+$0x1B310] =	vst.add.f32.msk $0xffff, v1  }
0x78: {  	v1 =	vmul.f32 $8.000000000e+00, v63;
	[tilespmem:s6+$0x1BF10] =	vst.add.f32.msk $0xffff, v2  }
0x79: {  	[tilespmem:s6+$0x1B710] =	vst.add.f32.msk $0xffff, v0;
	v0 =	vmul.f32 $8.000000000e+00, v7  }
0x7a: {  	s8 =	simm.s32 $0x0;
	s9 =	simm.s32 $0x80;
	[tilespmem:s6+$0x1BB10] =	vst.add.f32.msk $0xffff, v1  }
.LBB2_2:
0x7b: {  	s8 =	sadd.s32 $0x2, s8;
	[tilespmem:s6+$0x1C310] =	vst.add.f32.msk $0xffff, v0;
	s6 =	sshra.s32 s9, $0x2  }
0x7c: {  	v0 =	vld [tilespmem:s6+$0x1800];
	p0 =	slt.u32 s8, $0x3E  }
0x7d: {  	v1 =	vld [tilespmem:s6+$0x1400]  }
0x7e: {  	v2 =	vld [tilespmem:s6+$0x1000]  }
0x7f: {  	v3 =	vld [tilespmem:s6+$0xC10]  }
0x80: {  	v4 =	vld [tilespmem:s6+$0xC00]  }
0x81: {  	v5 =	vld [tilespmem:s6+$0x800]  }
0x82: {  	v6 =	vld [tilespmem:s6+$0x0]  }
0x83: {  	v7 =	vld [tilespmem:s6+$0x1C00]  }
0x84: {  	v8 =	vld [tilespmem:s6+$0x10]  }
0x85: {  	v9 =	vld [tilespmem:s6+$0x400]  }
0x86: {  	v2 =	vld.idx.msk [tilespmem:v2+s31+$0x0], $0xffff  }
0x87: {  	v10 =	vld [tilespmem:s6+$0x1C10]  }
0x88: {  	v0 =	vld.idx.msk [tilespmem:v0+s31+$0x0], $0xffff  }
0x89: {  	v4 =	vld.idx.msk [tilespmem:v4+s31+$0x0], $0xffff  }
0x8a: {  	v6 =	vld.idx.msk [tilespmem:v6+s31+$0x0], $0xffff  }
0x8b: {  	v1 =	vld.idx.msk [tilespmem:v1+s31+$0x0], $0xffff  }
0x8c: {  	v7 =	vld.idx.msk [tilespmem:v7+s31+$0x0], $0xffff  }
0x8d: {  	v11 =	vld [tilespmem:s6+$0x410]  }
0x8e: {  	v9 =	vld.idx.msk [tilespmem:v9+s31+$0x0], $0xffff  }
0x8f: {  	v12 =	vld [tilespmem:s6+$0x1810]  }
0x90: {  	v0 =	vmul.f32 $8.000000000e+00, v0;
	v13 =	vld [tilespmem:s6+$0x1410]  }
0x91: {  	v1 =	vmul.f32 $8.000000000e+00, v1;
	v14 =	vld [tilespmem:s6+$0x810]  }
0x92: {  	v4 =	vmul.f32 $8.000000000e+00, v4;
	v7 =	vmul.f32 $8.000000000e+00, v7;
	v15 =	vld [tilespmem:s6+$0x1010]  }
0x93: {  	v6 =	vmul.f32 $8.000000000e+00, v6;
	v5 =	vld.idx.msk [tilespmem:v5+s31+$0x0], $0xffff  }
0x94: {  	v2 =	vmul.f32 $8.000000000e+00, v2;
	v9 =	vmul.f32 $8.000000000e+00, v9;
	[tilespmem:s6+$0x1B300] =	vst.add.f32.msk $0xffff, v4  }
0x95: {  	[tilespmem:s6+$0x1A700] =	vst.add.f32.msk $0xffff, v6  }
0x96: {  	[tilespmem:s6+$0x1C300] =	vst.add.f32.msk $0xffff, v7  }
0x97: {  	[tilespmem:s6+$0x1B700] =	vst.add.f32.msk $0xffff, v2  }
0x98: {  	[tilespmem:s6+$0x1AB00] =	vst.add.f32.msk $0xffff, v9  }
0x99: {  	v2 =	vmul.f32 $8.000000000e+00, v5;
	[tilespmem:s6+$0x1BB00] =	vst.add.f32.msk $0xffff, v1  }
0x9a: {  	[tilespmem:s6+$0x1BF00] =	vst.add.f32.msk $0xffff, v0  }
0x9b: {  	[tilespmem:s6+$0x1AF00] =	vst.add.f32.msk $0xffff, v2  }
0x9c: {  	v0 =	vld.idx.msk [tilespmem:v8+s31+$0x0], $0xffff  }
0x9d: {  	v1 =	vld.idx.msk [tilespmem:v11+s31+$0x0], $0xffff  }
0x9e: {  	v2 =	vld.idx.msk [tilespmem:v14+s31+$0x0], $0xffff  }
0x9f: {  	v3 =	vld.idx.msk [tilespmem:v3+s31+$0x0], $0xffff  }
0xa0: {  	v4 =	vld.idx.msk [tilespmem:v15+s31+$0x0], $0xffff  }
0xa1: {  	v5 =	vld.idx.msk [tilespmem:v13+s31+$0x0], $0xffff  }
0xa2: {  	v0 =	vmul.f32 $8.000000000e+00, v0;
	v6 =	vld.idx.msk [tilespmem:v12+s31+$0x0], $0xffff  }
0xa3: {  	v1 =	vmul.f32 $8.000000000e+00, v1;
	v7 =	vld.idx.msk [tilespmem:v10+s31+$0x0], $0xffff  }
0xa4: {  	[tilespmem:s6+$0x1A710] =	vst.add.f32.msk $0xffff, v0;
	v0 =	vmul.f32 $8.000000000e+00, v2  }
0xa5: {  	[tilespmem:s6+$0x1AB10] =	vst.add.f32.msk $0xffff, v1;
	v1 =	vmul.f32 $8.000000000e+00, v3  }
.Ltmp0:
0xa6: {  	[tilespmem:s6+$0x1AF10] =	vst.add.f32.msk $0xffff, v0;
	v0 =	vmul.f32 $8.000000000e+00, v4;
	(pc) =	sbr.rel @p0 .LBB2_2-.Ltmp0, $4  }
0xa7: {  	[tilespmem:s6+$0x1B310] =	vst.add.f32.msk $0xffff, v1;
	v1 =	vmul.f32 $8.000000000e+00, v5  }
0xa8: {  	v2 =	vmul.f32 $8.000000000e+00, v6;
	[tilespmem:s6+$0x1B710] =	vst.add.f32.msk $0xffff, v0  }
0xa9: {  	v0 =	vmul.f32 $8.000000000e+00, v7;
	[tilespmem:s6+$0x1BB10] =	vst.add.f32.msk $0xffff, v1  }
0xaa: {  	s9 =	sadd.s32 $0x80, s9;
	[tilespmem:s6+$0x1BF10] =	vst.add.f32.msk $0xffff, v2  }
0xab: {  	[tilespmem:s6+$0x1C310] =	vst.add.f32.msk $0xffff, v0;
	s9 =	rddreg [dreg:$0x9]  }
0xac: {  	[tilespmem:s31], [sflag:$0x2] =	stream.strided.gather [hbm4b:s9+s20], $0x18700, s25, s20, $0x38;
	[tilespmem:$0x1E700] =	vst v63  }
0xad: {  	_ = 	snop  }
0xae: {  	[tilespmem:s1], [sflag:$0x3] =	stream.strided.gather [hbm4b:s10+s20], $0x800, s25, s20, $0x38;
	[tilespmem:$0x1E700] =	vst v63  }
0xaf: {  	_ = 	snop  }
0xb0: {  	[tilespmem:s22], [sflag:$0x3] =	stream.strided.gather [hbm4b:s10+s20], $0x800, s25, s20, $0x38;
	[tilespmem:$0x1E700] =	vst v63  }
0xb1: {  	_ = 	snop  }
0xb2: {  	[tilespmem:s23], [sflag:$0x3] =	stream.strided.gather [hbm4b:s10+s20], $0x800, s25, s20, $0x38;
	[tilespmem:$0x1E700] =	vst v63  }
0xb3: {  	_ = 	snop  }
0xb4: {  	[tilespmem:s24], [sflag:$0x3] =	stream.strided.gather [hbm4b:s10+s20], $0x800, s25, s20, $0x38;
	[tilespmem:$0x1E700] =	vst v63  }
0xb5: {  	_ = 	snop  }
0xb6: {  	[hbm4b:s11+s20] =	stream.strided.scatter [tilespmem:s26], [sflag:$0x4], $0x800, s25, s20, $0x38;
	[tilespmem:$0x1E700] =	vst v63  }
0xb7: {  	_ = 	snop  }
0xb8: {  	[hbm4b:s12+s20] =	stream.strided.scatter [tilespmem:s28], [sflag:$0x4], $0x800, s25, s20, $0x38;
	[tilespmem:$0x1E700] =	vst v63  }
0xb9: {  	_ = 	snop  }
0xba: {  	[hbm4b:s13+s20] =	stream.strided.scatter [tilespmem:s29], [sflag:$0x4], $0x800, s25, s20, $0x38;
	[tilespmem:$0x1E700] =	vst v63  }
0xbb: {  	_ = 	snop  }
0xbc: {  	[hbm4b:s14+s20] =	stream.strided.scatter [tilespmem:s30], [sflag:$0x4], $0x800, s25, s20, $0x38;
	[tilespmem:$0x1E700] =	vst v63  }
0xbd: {  	_ =	swait.ge [sflag:s2], $0x800  }
0xbe: {  	[sflag:s2] =	ssyncset.done $0x0  }
0xbf: {  	[sflag:s2] =	ssyncadd.s32 $0xFFFFF800  }
0xc0: {  	_ =	swait.ge [sflag:s2], $0x800  }
0xc1: {  	[sflag:s2] =	ssyncset.done $0x0  }
0xc2: {  	[sflag:s2] =	ssyncadd.s32 $0xFFFFF800  }
0xc3: {  	_ =	swait.ge [sflag:s2], $0x800  }
0xc4: {  	[sflag:s2] =	ssyncset.done $0x0  }
0xc5: {  	[sflag:s2] =	ssyncadd.s32 $0xFFFFF800  }
0xc6: {  	_ =	swait.ge [sflag:s2], $0x800  }
0xc7: {  	[sflag:s2] =	ssyncset.done $0x0  }
0xc8: {  	[sflag:s2] =	ssyncadd.s32 $0xFFFFF800  }
0xc9: {  	_ =	swait.ge [sflag:s3], $0x18700  }
0xca: {  	[sflag:s3] =	ssyncset.done $0x0  }
0xcb: {  	s6 =	simm.s32 $0x0;
	[sflag:s3] =	ssyncadd.s32 $0xFFFE7900  }
0xcc: {  	v0 =	vld [tilespmem:s6+$0x1800]  }
0xcd: {  	v1 =	vld [tilespmem:s6+$0x1400]  }
0xce: {  	v2 =	vld [tilespmem:s6+$0x1000]  }
0xcf: {  	v3 =	vld [tilespmem:s6+$0xC10]  }
0xd0: {  	v4 =	vld [tilespmem:s6+$0xC00]  }
0xd1: {  	v5 =	vld [tilespmem:s6+$0x800]  }
0xd2: {  	v6 =	vld [tilespmem:s6+$0x0]  }
0xd3: {  	v7 =	vld [tilespmem:s6+$0x1C00]  }
0xd4: {  	v8 =	vld [tilespmem:s6+$0x10]  }
0xd5: {  	v9 =	vld [tilespmem:s6+$0x400]  }
0xd6: {  	v10 =	vld [tilespmem:s6+$0x1C10]  }
0xd7: {  	v11 =	vld [tilespmem:s6+$0x410]  }
0xd8: {  	v12 =	vld [tilespmem:s6+$0x1810]  }
0xd9: {  	v13 =	vld [tilespmem:s6+$0x1410]  }
0xda: {  	v14 =	vld [tilespmem:s6+$0x810]  }
0xdb: {  	v15 =	vld [tilespmem:s6+$0x1010]  }
0xdc: {  	v2 =	vld.idx.msk [tilespmem:v2+s31+$0x0], $0xffff  }
0xdd: {  	v4 =	vld.idx.msk [tilespmem:v4+s31+$0x0], $0xffff  }
0xde: {  	v6 =	vld.idx.msk [tilespmem:v6+s31+$0x0], $0xffff  }
0xdf: {  	v7 =	vld.idx.msk [tilespmem:v7+s31+$0x0], $0xffff  }
0xe0: {  	v0 =	vld.idx.msk [tilespmem:v0+s31+$0x0], $0xffff  }
0xe1: {  	v9 =	vld.idx.msk [tilespmem:v9+s31+$0x0], $0xffff  }
0xe2: {  	v1 =	vld.idx.msk [tilespmem:v1+s31+$0x0], $0xffff;
	v4 =	vmul.f32 $8.000000000e+00, v4  }
0xe3: {  	v5 =	vld.idx.msk [tilespmem:v5+s31+$0x0], $0xffff;
	v6 =	vmul.f32 $8.000000000e+00, v6  }
0xe4: {  	v7 =	vmul.f32 $8.000000000e+00, v7;
	[tilespmem:s6+$0x1D300] =	vst.add.f32.msk $0xffff, v4  }
0xe5: {  	v2 =	vmul.f32 $8.000000000e+00, v2;
	[tilespmem:s6+$0x1C700] =	vst.add.f32.msk $0xffff, v6  }
0xe6: {  	v62 =	vmul.f32 $8.000000000e+00, v9;
	[tilespmem:s6+$0x1E300] =	vst.add.f32.msk $0xffff, v7  }
0xe7: {  	v1 =	vmul.f32 $8.000000000e+00, v1;
	[tilespmem:s6+$0x1D700] =	vst.add.f32.msk $0xffff, v2  }
0xe8: {  	v0 =	vmul.f32 $8.000000000e+00, v0;
	[tilespmem:s6+$0x1CB00] =	vst.add.f32.msk $0xffff, v62  }
0xe9: {  	v2 =	vmul.f32 $8.000000000e+00, v5;
	[tilespmem:s6+$0x1DB00] =	vst.add.f32.msk $0xffff, v1  }
0xea: {  	[tilespmem:s6+$0x1DF00] =	vst.add.f32.msk $0xffff, v0  }
0xeb: {  	[tilespmem:s6+$0x1CF00] =	vst.add.f32.msk $0xffff, v2  }
0xec: {  	v0 =	vld.idx.msk [tilespmem:v8+s31+$0x0], $0xffff  }
0xed: {  	v1 =	vld.idx.msk [tilespmem:v11+s31+$0x0], $0xffff  }
0xee: {  	v2 =	vld.idx.msk [tilespmem:v14+s31+$0x0], $0xffff  }
0xef: {  	v3 =	vld.idx.msk [tilespmem:v3+s31+$0x0], $0xffff  }
0xf0: {  	v4 =	vld.idx.msk [tilespmem:v15+s31+$0x0], $0xffff  }
0xf1: {  	v6 =	vld.idx.msk [tilespmem:v12+s31+$0x0], $0xffff  }
0xf2: {  	v63 =	vld.idx.msk [tilespmem:v13+s31+$0x0], $0xffff;
	v0 =	vmul.f32 $8.000000000e+00, v0  }
0xf3: {  	v7 =	vld.idx.msk [tilespmem:v10+s31+$0x0], $0xffff;
	v1 =	vmul.f32 $8.000000000e+00, v1  }
0xf4: {  	[tilespmem:s6+$0x1C710] =	vst.add.f32.msk $0xffff, v0;
	v0 =	vmul.f32 $8.000000000e+00, v2  }
0xf5: {  	[tilespmem:s6+$0x1CB10] =	vst.add.f32.msk $0xffff, v1;
	v1 =	vmul.f32 $8.000000000e+00, v3  }
0xf6: {  	v2 =	vmul.f32 $8.000000000e+00, v6;
	[tilespmem:s6+$0x1CF10] =	vst.add.f32.msk $0xffff, v0  }
0xf7: {  	v0 =	vmul.f32 $8.000000000e+00, v4;
	[tilespmem:s6+$0x1D310] =	vst.add.f32.msk $0xffff, v1  }
0xf8: {  	v1 =	vmul.f32 $8.000000000e+00, v63;
	[tilespmem:s6+$0x1DF10] =	vst.add.f32.msk $0xffff, v2  }
0xf9: {  	[tilespmem:s6+$0x1D710] =	vst.add.f32.msk $0xffff, v0;
	v0 =	vmul.f32 $8.000000000e+00, v7  }
0xfa: {  	s8 =	simm.s32 $0x0;
	s9 =	simm.s32 $0x80;
	[tilespmem:s6+$0x1DB10] =	vst.add.f32.msk $0xffff, v1  }
.LBB2_4:
0xfb: {  	s8 =	sadd.s32 $0x2, s8;
	[tilespmem:s6+$0x1E310] =	vst.add.f32.msk $0xffff, v0;
	s6 =	sshra.s32 s9, $0x2  }
0xfc: {  	v0 =	vld [tilespmem:s6+$0x1800];
	p0 =	slt.u32 s8, $0x3E  }
0xfd: {  	v1 =	vld [tilespmem:s6+$0x1400]  }
0xfe: {  	v2 =	vld [tilespmem:s6+$0x1000]  }
0xff: {  	v3 =	vld [tilespmem:s6+$0xC10]  }
0x100: {  	v4 =	vld [tilespmem:s6+$0xC00]  }
0x101: {  	v5 =	vld [tilespmem:s6+$0x800]  }
0x102: {  	v6 =	vld [tilespmem:s6+$0x0]  }
0x103: {  	v7 =	vld [tilespmem:s6+$0x1C00]  }
0x104: {  	v8 =	vld [tilespmem:s6+$0x10]  }
0x105: {  	v9 =	vld [tilespmem:s6+$0x400]  }
0x106: {  	v2 =	vld.idx.msk [tilespmem:v2+s31+$0x0], $0xffff  }
0x107: {  	v10 =	vld [tilespmem:s6+$0x1C10]  }
0x108: {  	v0 =	vld.idx.msk [tilespmem:v0+s31+$0x0], $0xffff  }
0x109: {  	v4 =	vld.idx.msk [tilespmem:v4+s31+$0x0], $0xffff  }
0x10a: {  	v6 =	vld.idx.msk [tilespmem:v6+s31+$0x0], $0xffff  }
0x10b: {  	v1 =	vld.idx.msk [tilespmem:v1+s31+$0x0], $0xffff  }
0x10c: {  	v7 =	vld.idx.msk [tilespmem:v7+s31+$0x0], $0xffff  }
0x10d: {  	v11 =	vld [tilespmem:s6+$0x410]  }
0x10e: {  	v9 =	vld.idx.msk [tilespmem:v9+s31+$0x0], $0xffff  }
0x10f: {  	v12 =	vld [tilespmem:s6+$0x1810]  }
0x110: {  	v0 =	vmul.f32 $8.000000000e+00, v0;
	v13 =	vld [tilespmem:s6+$0x1410]  }
0x111: {  	v1 =	vmul.f32 $8.000000000e+00, v1;
	v14 =	vld [tilespmem:s6+$0x810]  }
0x112: {  	v4 =	vmul.f32 $8.000000000e+00, v4;
	v7 =	vmul.f32 $8.000000000e+00, v7;
	v15 =	vld [tilespmem:s6+$0x1010]  }
0x113: {  	v6 =	vmul.f32 $8.000000000e+00, v6;
	v5 =	vld.idx.msk [tilespmem:v5+s31+$0x0], $0xffff  }
0x114: {  	v2 =	vmul.f32 $8.000000000e+00, v2;
	v9 =	vmul.f32 $8.000000000e+00, v9;
	[tilespmem:s6+$0x1D300] =	vst.add.f32.msk $0xffff, v4  }
0x115: {  	[tilespmem:s6+$0x1C700] =	vst.add.f32.msk $0xffff, v6  }
0x116: {  	[tilespmem:s6+$0x1E300] =	vst.add.f32.msk $0xffff, v7  }
0x117: {  	[tilespmem:s6+$0x1D700] =	vst.add.f32.msk $0xffff, v2  }
0x118: {  	[tilespmem:s6+$0x1CB00] =	vst.add.f32.msk $0xffff, v9  }
0x119: {  	v2 =	vmul.f32 $8.000000000e+00, v5;
	[tilespmem:s6+$0x1DB00] =	vst.add.f32.msk $0xffff, v1  }
0x11a: {  	[tilespmem:s6+$0x1DF00] =	vst.add.f32.msk $0xffff, v0  }
0x11b: {  	[tilespmem:s6+$0x1CF00] =	vst.add.f32.msk $0xffff, v2  }
0x11c: {  	v0 =	vld.idx.msk [tilespmem:v8+s31+$0x0], $0xffff  }
0x11d: {  	v1 =	vld.idx.msk [tilespmem:v11+s31+$0x0], $0xffff  }
0x11e: {  	v2 =	vld.idx.msk [tilespmem:v14+s31+$0x0], $0xffff  }
0x11f: {  	v3 =	vld.idx.msk [tilespmem:v3+s31+$0x0], $0xffff  }
0x120: {  	v4 =	vld.idx.msk [tilespmem:v15+s31+$0x0], $0xffff  }
0x121: {  	v5 =	vld.idx.msk [tilespmem:v13+s31+$0x0], $0xffff  }
0x122: {  	v0 =	vmul.f32 $8.000000000e+00, v0;
	v6 =	vld.idx.msk [tilespmem:v12+s31+$0x0], $0xffff  }
0x123: {  	v1 =	vmul.f32 $8.000000000e+00, v1;
	v7 =	vld.idx.msk [tilespmem:v10+s31+$0x0], $0xffff  }
0x124: {  	[tilespmem:s6+$0x1C710] =	vst.add.f32.msk $0xffff, v0;
	v0 =	vmul.f32 $8.000000000e+00, v2  }
0x125: {  	[tilespmem:s6+$0x1CB10] =	vst.add.f32.msk $0xffff, v1;
	v1 =	vmul.f32 $8.000000000e+00, v3  }
.Ltmp1:
0x126: {  	[tilespmem:s6+$0x1CF10] =	vst.add.f32.msk $0xffff, v0;
	v0 =	vmul.f32 $8.000000000e+00, v4;
	(pc) =	sbr.rel @p0 .LBB2_4-.Ltmp1, $4  }
0x127: {  	[tilespmem:s6+$0x1D310] =	vst.add.f32.msk $0xffff, v1;
	v1 =	vmul.f32 $8.000000000e+00, v5  }
0x128: {  	v2 =	vmul.f32 $8.000000000e+00, v6;
	[tilespmem:s6+$0x1D710] =	vst.add.f32.msk $0xffff, v0  }
0x129: {  	v0 =	vmul.f32 $8.000000000e+00, v7;
	[tilespmem:s6+$0x1DB10] =	vst.add.f32.msk $0xffff, v1  }
0x12a: {  	s9 =	sadd.s32 $0x80, s9;
	[tilespmem:s6+$0x1DF10] =	vst.add.f32.msk $0xffff, v2  }
0x12b: {  	[tilespmem:s6+$0x1E310] =	vst.add.f32.msk $0xffff, v0  }
0x12c: {  	[hbm4b:s15+s20] =	stream.strided.scatter [tilespmem:s1], [sflag:$0x4], $0x800, s25, s20, $0x38;
	[tilespmem:$0x1E700] =	vst v63  }
0x12d: {  	_ = 	snop  }
0x12e: {  	[hbm4b:s16+s20] =	stream.strided.scatter [tilespmem:s22], [sflag:$0x4], $0x800, s25, s20, $0x38;
	[tilespmem:$0x1E700] =	vst v63  }
0x12f: {  	_ = 	snop  }
0x130: {  	[hbm4b:s17+s20] =	stream.strided.scatter [tilespmem:s23], [sflag:$0x4], $0x800, s25, s20, $0x38;
	[tilespmem:$0x1E700] =	vst v63  }
0x131: {  	_ = 	snop  }
0x132: {  	[hbm4b:s18+s20] =	stream.strided.scatter [tilespmem:s24], [sflag:$0x4], $0x800, s25, s20, $0x38;
	[tilespmem:$0x1E700] =	vst v63  }
0x133: {  	_ =	swait.ge [sflag:s4], $0x800  }
0x134: {  	[sflag:s4] =	ssyncset.done $0x0  }
0x135: {  	[sflag:s4] =	ssyncadd.s32 $0xFFFFF800  }
0x136: {  	_ =	swait.ge [sflag:s4], $0x800  }
0x137: {  	[sflag:s4] =	ssyncset.done $0x0  }
0x138: {  	[sflag:s4] =	ssyncadd.s32 $0xFFFFF800  }
0x139: {  	_ =	swait.ge [sflag:s4], $0x800  }
0x13a: {  	[sflag:s4] =	ssyncset.done $0x0  }
0x13b: {  	[sflag:s4] =	ssyncadd.s32 $0xFFFFF800  }
0x13c: {  	_ =	swait.ge [sflag:s4], $0x800  }
0x13d: {  	[sflag:s4] =	ssyncset.done $0x0  }
0x13e: {  	[sflag:s4] =	ssyncadd.s32 $0xFFFFF800  }
0x13f: {  	_ =	swait.ge [sflag:s4], $0x800  }
0x140: {  	[sflag:s4] =	ssyncset.done $0x0  }
0x141: {  	[sflag:s4] =	ssyncadd.s32 $0xFFFFF800  }
0x142: {  	_ =	swait.ge [sflag:s4], $0x800  }
0x143: {  	[sflag:s4] =	ssyncset.done $0x0  }
0x144: {  	s5 =	sadd.s32 $0x1, s5;
	[sflag:s4] =	ssyncadd.s32 $0xFFFFF800  }
0x145: {  	p0 =	sne.s32 s5, s19;
	_ =	swait.ge [sflag:s4], $0x800  }
.Ltmp2:
0x146: {  	[sflag:s4] =	ssyncset.done $0x0;
	(pc) =	sbr.rel @p0 .LBB2_1-.Ltmp2, $4  }
0x147: {  	[sflag:s4] =	ssyncadd.s32 $0xFFFFF800  }
0x148: {  	_ =	swait.ge [sflag:s4], $0x800  }
0x149: {  	[sflag:s4] =	ssyncset.done $0x0  }
0x14a: {  	[sflag:s4] =	ssyncadd.s32 $0xFFFFF800  }
0x14b: {  	_ =	sfence.sel $0x180000  }
0x14c: {  	[bflag:$0x0] =	sbarrier.arrive $0xFFFF  }
0x14d: {  	_ =	strace $0x90000047  }
0x14e: {  	s0 =	stileid.u32;
	[bflag:$0x2] =	sbarrier.arrive $0xFFFF  }
0x14f: {  	p0 =	sne.s32 s0, $0x0;
	s0 =	rddreg [dreg:$0x4]  }
0x150: {  	s0 =	sadd.s32 @!p0 $0x100000, s0  }
0x151: {  	[sflag:s0] =	ssyncadd.tile.s32 @!p0 $0x1;
	_ =	shalt  }
.Lfunc_end2:
_tile_overlayer_lowered:
.L_overlay_start_2:
0x152: {  	(tag) =	ssettag $0x2  }
0x153: {  	s0 =	rddreg [dreg:$0x0];
	s2 =	stileid.u32  }
0x154: {  	s1 =	rddreg [dreg:$0x1];
	p0 =	sne.s32 s2, $0x0  }
0x155: {  	s3 =	rddreg [dreg:$0x2];
	[bflag:$0x3] =	sbarrier.arrive $0xFFFF;
	s2 =	simm.s32 @!p0 $0x1C05  }
0x156: {  	[timem:s3], [sflag:s2] =	dma.local @!p0 [hbm:s0], s1  }
0x157: {  	s0 =	simm.s32 @!p0 $0x5  }
0x158: {  	_ =	swait.ge @!p0 [sflag:s0], s1  }
0x159: {  	s1 =	ssub.s32 @!p0 $0x0, s1;
	[sflag:s0] =	ssyncset.done @!p0 $0x0  }
0x15a: {  	[sflag:s0] =	ssyncadd.s32 @!p0 s1  }
0x15b: {  	[bflag:$0x3] =	sbarrier.arrive $0xFFFF  }
0x15c: {  	_ =	shalt  }

</sc_bundles>
